<compile_context>
chip_gen: v7x
topology: tpu7x:2x2x1
jax: 0.10.2.dev20260603
libtpu: 0.0.44.dev20260713+nightly
codegen_flags: <defaults>
</compile_context>

<pallas_src>
import functools

import jax
import jax.numpy as jnp
from jax import lax
from jax.experimental import pallas as pl
from jax.experimental.pallas import tpu as pltpu
from jax.experimental.pallas import tpu_sc as plsc

_NC = 2
_NS = 16
_NW = _NC * _NS

_CHUNK = 128


_NSLOT = 3
_UCHUNK = 2
_OSPLIT = 2


def _gather_grid(table, idx2d, n_chunks_per_w):
    V, D = table.shape
    total_rows = idx2d.shape[0] * _CHUNK
    urows = _UCHUNK * _CHUNK
    assert n_chunks_per_w % _UCHUNK == 0
    n_units = n_chunks_per_w // _UCHUNK
    n_loop = n_units // _NSLOT
    n_epi = n_units - n_loop * _NSLOT
    mesh = plsc.VectorSubcoreMesh(core_axis_name="c", subcore_axis_name="s")

    @functools.partial(
        pl.kernel,
        out_type=jax.ShapeDtypeStruct((total_rows, D), jnp.float32),
        mesh=mesh,
        scratch_types=[
            pltpu.VMEM_SHARED((V, D), jnp.float32),
            pltpu.VMEM((_NSLOT * _UCHUNK, _CHUNK), jnp.int32),
            pltpu.VMEM((_NSLOT * urows, D), jnp.float32),
            [
                [pltpu.SemaphoreType.DMA for _ in range(_UCHUNK)]
                for _ in range(_NSLOT)
            ],
            [
                [pltpu.SemaphoreType.DMA for _ in range(_OSPLIT)]
                for _ in range(_NSLOT)
            ],
            [pltpu.SemaphoreType.DMA for _ in range(_NSLOT)],
        ],
    )
    def run(
        table_hbm, idx_hbm, out_hbm, table_sh, idx_v, big, gsems, osems, isems
    ):
        wid = lax.axis_index("s") * _NC + lax.axis_index("c")
        chunk_base = wid * n_chunks_per_w
        row_base = chunk_base * _CHUNK
        @pl.when(lax.axis_index("s") == 0)
        def _():
            pltpu.sync_copy(table_hbm, table_sh)

        def slotbuf(s):
            return big.at[pl.ds(s * urows, urows)]

        def out_unit(u):
            return out_hbm.at[pl.ds(row_base + u * urows, urows)]

        prows = urows // _OSPLIT

        def issue_out(s, u):
            for p in range(_OSPLIT):
                pltpu.async_copy(
                    big.at[pl.ds(s * urows + p * prows, prows)],
                    out_hbm.at[pl.ds(row_base + u * urows + p * prows, prows)],
                    osems[s][p],
                )

        def drain_out(s):
            for p in range(_OSPLIT):
                pltpu.make_async_copy(
                    big.at[pl.ds(s * urows, prows)],
                    out_hbm.at[pl.ds(row_base, prows)],
                    osems[s][p],
                ).wait()

        def idx_slot(s):
            return idx_v.at[pl.ds(s * _UCHUNK, _UCHUNK)]

        def fetch_idx(u, s):
            pltpu.async_copy(
                idx_hbm.at[pl.ds(chunk_base + u * _UCHUNK, _UCHUNK)],
                idx_slot(s),
                isems[s],
            )

        def wait_idx(s):
            pltpu.make_async_copy(
                idx_hbm.at[pl.ds(0, _UCHUNK)], idx_slot(s), isems[s]
            ).wait()

        def start_gathers(s):
            descs = []
            for i in range(_UCHUNK):
                descs.append(
                    pltpu.async_copy(
                        table_sh.at[idx_v.at[s * _UCHUNK + i]],
                        big.at[pl.ds(s * urows + i * _CHUNK, _CHUNK)],
                        gsems[s][i],
                    )
                )
            return descs

        for s in range(_NSLOT):
            fetch_idx(s, s)
        plsc.subcore_barrier()

        def step(g, carry):
            descs = []
            for s in range(_NSLOT):
                u = g * _NSLOT + s

                @pl.when(g > 0)
                def _():
                    drain_out(s)

                wait_idx(s)
                descs.append(start_gathers(s))
            for s in range(_NSLOT):
                u = g * _NSLOT + s
                for d in descs[s]:
                    d.wait()
                issue_out(s, u)

                @pl.when(u + _NSLOT < n_units)
                def _():
                    fetch_idx(u + _NSLOT, s)

            return carry

        lax.fori_loop(0, n_loop, step, 0)

        u0 = n_loop * _NSLOT
        for e in range(n_epi):
            drain_out(e)
            wait_idx(e)
            for d in start_gathers(e):
                d.wait()
            issue_out(e, u0 + e)
        for s in range(_NSLOT):
            drain_out(s)

    return run(table, idx2d)


def kernel(order_ids, turn_ids, role_ids, turn_table):
    B, S = turn_ids.shape
    V, D = turn_table.shape
    N = B * S
    assert N % (_NW * _CHUNK) == 0
    n_chunks_per_w = N // (_NW * _CHUNK)
    idx2d = turn_ids.reshape(N // _CHUNK, _CHUNK).astype(jnp.int32)
    out = _gather_grid(turn_table, idx2d, n_chunks_per_w)
    return out.reshape(B, S, D)

# --- scband reference (transcript-rebuilt; emitter-appended) ---
"""Pipeline reference for scband-dialogue-embedder-82884278878931 (READ-ONLY COPY).

The authoritative reference and input builder live on the scoring server;
editing this copy changes nothing except your own understanding.
"""

import jax, jax.numpy as jnp
import numpy as np


def setup_inputs(seed: int = 0) -> dict:
    key = jax.random.key(seed)
    k1, k2, k3, k4 = jax.random.split(key, 4)
    order_ids = jax.random.randint(k1, (4096, 200), 0, 1000, dtype=jnp.int64 if jax.config.jax_enable_x64 else jnp.int32)
    turn_ids = jax.random.randint(k2, (4096, 200), 0, 1000, dtype=jnp.int64 if jax.config.jax_enable_x64 else jnp.int32)
    role_ids = jax.random.randint(k3, (4096, 200), 0, 4, dtype=jnp.int64 if jax.config.jax_enable_x64 else jnp.int32)
    # turn embedding table, xavier-uniform init: bound = sqrt(6/(fan_in+fan_out))
    num_turn_embeddings, hidden_dim = 1000, 128
    bound = float(np.sqrt(6.0 / (num_turn_embeddings + hidden_dim)))
    turn_table = jax.random.uniform(k4, (num_turn_embeddings, hidden_dim), minval=-bound, maxval=bound, dtype=jnp.float32)
    return {"order_ids": order_ids, "turn_ids": turn_ids, "role_ids": role_ids, "turn_table": turn_table}


def reference(order_ids, turn_ids, role_ids, turn_table):
    # DialogueEmbedder.forward: only turn_ids are used; order_ids/role_ids ignored.
    # Dropout is identity in eval mode.
    embed = jnp.take(turn_table, turn_ids, axis=0)
    return embed

if __name__ == "__main__":
    import jax
    _d = setup_inputs()
    print(jax.jit(kernel)(*tuple(_d.values())))

</pallas_src>

<mosaic_0001>
#map = affine_map<(d0, d1) -> (0, 0)>
module attributes {stable_mosaic.version = 14 : i64} {
  func.func @run(%arg0: i32, %arg1: i32, %arg2: memref<1000x128xf32, #tpu.memory_space<hbm>>, %arg3: memref<6400x128xi32, #tpu.memory_space<hbm>>, %arg4: memref<819200x128xf32, #tpu.memory_space<hbm>>, %arg5: memref<1000x128xf32, #tpu.memory_space<vmem_shared>>, %arg6: memref<6x128xi32, #tpu.memory_space<vmem>>, %arg7: memref<768x128xf32, #tpu.memory_space<vmem>>, %arg8: memref<!tpu.dma_semaphore, #tpu.memory_space<semaphore_mem>>, %arg9: memref<!tpu.dma_semaphore, #tpu.memory_space<semaphore_mem>>, %arg10: memref<!tpu.dma_semaphore, #tpu.memory_space<semaphore_mem>>, %arg11: memref<!tpu.dma_semaphore, #tpu.memory_space<semaphore_mem>>, %arg12: memref<!tpu.dma_semaphore, #tpu.memory_space<semaphore_mem>>, %arg13: memref<!tpu.dma_semaphore, #tpu.memory_space<semaphore_mem>>, %arg14: memref<!tpu.dma_semaphore, #tpu.memory_space<semaphore_mem>>, %arg15: memref<!tpu.dma_semaphore, #tpu.memory_space<semaphore_mem>>, %arg16: memref<!tpu.dma_semaphore, #tpu.memory_space<semaphore_mem>>, %arg17: memref<!tpu.dma_semaphore, #tpu.memory_space<semaphore_mem>>, %arg18: memref<!tpu.dma_semaphore, #tpu.memory_space<semaphore_mem>>, %arg19: memref<!tpu.dma_semaphore, #tpu.memory_space<semaphore_mem>>, %arg20: memref<!tpu.dma_semaphore, #tpu.memory_space<semaphore_mem>>, %arg21: memref<!tpu.dma_semaphore, #tpu.memory_space<semaphore_mem>>, %arg22: memref<!tpu.dma_semaphore, #tpu.memory_space<semaphore_mem>>) attributes {dimension_semantics = [#tpu.dimension_semantics<core_parallel>, #tpu.dimension_semantics<subcore_parallel>], iteration_bounds = array<i64: 2, 16>, scalar_prefetch = 0 : i64, scratch_operands = 18 : i64, tpu.core_type = #tpu.core_type<sc_vector_subcore>, window_params = [{transform_indices = #map}, {transform_indices = #map}, {transform_indices = #map}]} {
    %mul3A = arith.constant 2 : i32
    %mul3A_0 = arith.muli %arg1, %mul3A : i32
    %add3A = arith.addi %mul3A_0, %arg0 : i32
    %mul3A_1 = arith.constant 200 : i32
    %mul3A_2 = arith.muli %add3A, %mul3A_1 : i32
    %mul3A_3 = arith.constant 128 : i32
    %mul3A_4 = arith.muli %mul3A_2, %mul3A_3 : i32
    %eq3A = arith.constant 0 : i32
    %eq3A_5 = arith.cmpi eq, %arg1, %eq3A : i32
    %convert_element_type3A = arith.extui %eq3A_5 : i1 to i32
    %cond3A = arith.constant 0 : i32
    %cond3A_6 = arith.cmpi ne, %convert_element_type3A, %cond3A : i32
    scf.if %cond3A_6 {
      "tpu.region"() ({
        %run_scoped3A = tpu.sem_alloc : memref<!tpu.dma_semaphore, #tpu.memory_space<semaphore_mem>>
        tpu.enqueue_dma source(%arg2 : memref<1000x128xf32, #tpu.memory_space<hbm>>) target(%arg5 : memref<1000x128xf32, #tpu.memory_space<vmem_shared>>) target_semaphore(%run_scoped3A : memref<!tpu.dma_semaphore, #tpu.memory_space<semaphore_mem>>)
        tpu.wait_dma2 semaphore(%run_scoped3A : memref<!tpu.dma_semaphore, #tpu.memory_space<semaphore_mem>>) src(%arg2 : memref<1000x128xf32, #tpu.memory_space<hbm>>) dst(%arg5 : memref<1000x128xf32, #tpu.memory_space<vmem_shared>>)
        tpu.yield
      }) : () -> ()
    } else {
    }
    %add3A_7 = arith.constant 0 : i32
    %add3A_8 = arith.addi %mul3A_2, %add3A_7 : i32
    %dma_start3A = arith.constant 0 : i32
    %dma_start3A_9 = arith.constant 0 : i32
    %dma_start3A_10 = tpu.memref_slice %arg6[%dma_start3A, %dma_start3A_9] : memref<6x128xi32, #tpu.memory_space<vmem>> -> memref<2x128xi32, #tpu.memory_space<vmem>>
    %dma_start3A_11 = arith.constant 0 : i32
    %dma_start3A_12 = tpu.memref_slice %arg3[%add3A_8, %dma_start3A_11] : memref<6400x128xi32, #tpu.memory_space<hbm>> -> memref<2x128xi32, #tpu.memory_space<hbm>>
    %dma_start3A_13 = arith.constant 0 : i32
    %dma_start3A_14 = arith.constant 0 : i32
    %dma_start3A_15 = tpu.memref_slice %arg6[%dma_start3A_13, %dma_start3A_14] : memref<6x128xi32, #tpu.memory_space<vmem>> -> memref<2x128xi32, #tpu.memory_space<vmem>>
    %dma_start3A_16 = arith.constant 0 : i32
    %dma_start3A_17 = tpu.memref_slice %arg3[%add3A_8, %dma_start3A_16] : memref<6400x128xi32, #tpu.memory_space<hbm>> -> memref<2x128xi32, #tpu.memory_space<hbm>>
    tpu.enqueue_dma source(%dma_start3A_17 : memref<2x128xi32, #tpu.memory_space<hbm>>) target(%dma_start3A_15 : memref<2x128xi32, #tpu.memory_space<vmem>>) target_semaphore(%arg20 : memref<!tpu.dma_semaphore, #tpu.memory_space<semaphore_mem>>)
    %add3A_18 = arith.constant 2 : i32
    %add3A_19 = arith.addi %mul3A_2, %add3A_18 : i32
    %dma_start3A_20 = arith.constant 2 : i32
    %dma_start3A_21 = arith.constant 0 : i32
    %dma_start3A_22 = tpu.memref_slice %arg6[%dma_start3A_20, %dma_start3A_21] : memref<6x128xi32, #tpu.memory_space<vmem>> -> memref<2x128xi32, #tpu.memory_space<vmem>>
    %dma_start3A_23 = arith.constant 0 : i32
    %dma_start3A_24 = tpu.memref_slice %arg3[%add3A_19, %dma_start3A_23] : memref<6400x128xi32, #tpu.memory_space<hbm>> -> memref<2x128xi32, #tpu.memory_space<hbm>>
    %dma_start3A_25 = arith.constant 2 : i32
    %dma_start3A_26 = arith.constant 0 : i32
    %dma_start3A_27 = tpu.memref_slice %arg6[%dma_start3A_25, %dma_start3A_26] : memref<6x128xi32, #tpu.memory_space<vmem>> -> memref<2x128xi32, #tpu.memory_space<vmem>>
    %dma_start3A_28 = arith.constant 0 : i32
    %dma_start3A_29 = tpu.memref_slice %arg3[%add3A_19, %dma_start3A_28] : memref<6400x128xi32, #tpu.memory_space<hbm>> -> memref<2x128xi32, #tpu.memory_space<hbm>>
    tpu.enqueue_dma source(%dma_start3A_29 : memref<2x128xi32, #tpu.memory_space<hbm>>) target(%dma_start3A_27 : memref<2x128xi32, #tpu.memory_space<vmem>>) target_semaphore(%arg21 : memref<!tpu.dma_semaphore, #tpu.memory_space<semaphore_mem>>)
    %add3A_30 = arith.constant 4 : i32
    %add3A_31 = arith.addi %mul3A_2, %add3A_30 : i32
    %dma_start3A_32 = arith.constant 4 : i32
    %dma_start3A_33 = arith.constant 0 : i32
    %dma_start3A_34 = tpu.memref_slice %arg6[%dma_start3A_32, %dma_start3A_33] : memref<6x128xi32, #tpu.memory_space<vmem>> -> memref<2x128xi32, #tpu.memory_space<vmem>>
    %dma_start3A_35 = arith.constant 0 : i32
    %dma_start3A_36 = tpu.memref_slice %arg3[%add3A_31, %dma_start3A_35] : memref<6400x128xi32, #tpu.memory_space<hbm>> -> memref<2x128xi32, #tpu.memory_space<hbm>>
    %dma_start3A_37 = arith.constant 4 : i32
    %dma_start3A_38 = arith.constant 0 : i32
    %dma_start3A_39 = tpu.memref_slice %arg6[%dma_start3A_37, %dma_start3A_38] : memref<6x128xi32, #tpu.memory_space<vmem>> -> memref<2x128xi32, #tpu.memory_space<vmem>>
    %dma_start3A_40 = arith.constant 0 : i32
    %dma_start3A_41 = tpu.memref_slice %arg3[%add3A_31, %dma_start3A_40] : memref<6400x128xi32, #tpu.memory_space<hbm>> -> memref<2x128xi32, #tpu.memory_space<hbm>>
    tpu.enqueue_dma source(%dma_start3A_41 : memref<2x128xi32, #tpu.memory_space<hbm>>) target(%dma_start3A_39 : memref<2x128xi32, #tpu.memory_space<vmem>>) target_semaphore(%arg22 : memref<!tpu.dma_semaphore, #tpu.memory_space<semaphore_mem>>)
    %barrier3A = arith.constant 0 : index
    tpu.barrier barrier_id(%barrier3A)
    %scan3A = arith.constant 0 : i32
    %scan3A_42 = arith.constant 0 : i32
    %scan3A_43 = arith.constant 33 : i32
    %scan3A_44 = arith.addi %scan3A_42, %scan3A_43 : i32
    %scan3A_45 = arith.constant 1 : i32
    scf.for %scan3A_206 = %scan3A_42 to %scan3A_44 step %scan3A_45  : i32 {
      %mul3A_207 = arith.constant 3 : i32
      %mul3A_208 = arith.muli %scan3A_206, %mul3A_207 : i32
      %add3A_209 = arith.constant 0 : i32
      %add3A_210 = arith.addi %mul3A_208, %add3A_209 : i32
      %gt3A = arith.constant 0 : i32
      %gt3A_211 = arith.cmpi sgt, %scan3A_206, %gt3A : i32
      %convert_element_type3A_212 = arith.extui %gt3A_211 : i1 to i32
      %cond3A_213 = arith.constant 0 : i32
      %cond3A_214 = arith.cmpi ne, %convert_element_type3A_212, %cond3A_213 : i32
      scf.if %cond3A_214 {
        %dma_wait3A_511 = arith.constant 0 : i32
        %dma_wait3A_512 = arith.constant 0 : i32
        %dma_wait3A_513 = tpu.memref_slice %arg7[%dma_wait3A_511, %dma_wait3A_512] : memref<768x128xf32, #tpu.memory_space<vmem>> -> memref<128x128xf32, #tpu.memory_space<vmem>>
        %dma_wait3A_514 = arith.constant 0 : i32
        %dma_wait3A_515 = tpu.memref_slice %arg4[%mul3A_4, %dma_wait3A_514] : memref<819200x128xf32, #tpu.memory_space<hbm>> -> memref<128x128xf32, #tpu.memory_space<hbm>>
        %dma_wait3A_516 = arith.constant 0 : i32
        %dma_wait3A_517 = tpu.memref_slice %arg4[%mul3A_4, %dma_wait3A_516] : memref<819200x128xf32, #tpu.memory_space<hbm>> -> memref<128x128xf32, #tpu.memory_space<hbm>>
        %dma_wait3A_518 = arith.constant 0 : i32
        %dma_wait3A_519 = arith.constant 0 : i32
        %dma_wait3A_520 = tpu.memref_slice %arg7[%dma_wait3A_518, %dma_wait3A_519] : memref<768x128xf32, #tpu.memory_space<vmem>> -> memref<128x128xf32, #tpu.memory_space<vmem>>
        tpu.wait_dma2 semaphore(%arg14 : memref<!tpu.dma_semaphore, #tpu.memory_space<semaphore_mem>>) src(%dma_wait3A_520 : memref<128x128xf32, #tpu.memory_space<vmem>>) dst(%dma_wait3A_517 : memref<128x128xf32, #tpu.memory_space<hbm>>)
        %dma_wait3A_521 = arith.constant 0 : i32
        %dma_wait3A_522 = arith.constant 0 : i32
        %dma_wait3A_523 = tpu.memref_slice %arg7[%dma_wait3A_521, %dma_wait3A_522] : memref<768x128xf32, #tpu.memory_space<vmem>> -> memref<128x128xf32, #tpu.memory_space<vmem>>
        %dma_wait3A_524 = arith.constant 0 : i32
        %dma_wait3A_525 = tpu.memref_slice %arg4[%mul3A_4, %dma_wait3A_524] : memref<819200x128xf32, #tpu.memory_space<hbm>> -> memref<128x128xf32, #tpu.memory_space<hbm>>
        %dma_wait3A_526 = arith.constant 0 : i32
        %dma_wait3A_527 = tpu.memref_slice %arg4[%mul3A_4, %dma_wait3A_526] : memref<819200x128xf32, #tpu.memory_space<hbm>> -> memref<128x128xf32, #tpu.memory_space<hbm>>
        %dma_wait3A_528 = arith.constant 0 : i32
        %dma_wait3A_529 = arith.constant 0 : i32
        %dma_wait3A_530 = tpu.memref_slice %arg7[%dma_wait3A_528, %dma_wait3A_529] : memref<768x128xf32, #tpu.memory_space<vmem>> -> memref<128x128xf32, #tpu.memory_space<vmem>>
        tpu.wait_dma2 semaphore(%arg15 : memref<!tpu.dma_semaphore, #tpu.memory_space<semaphore_mem>>) src(%dma_wait3A_530 : memref<128x128xf32, #tpu.memory_space<vmem>>) dst(%dma_wait3A_527 : memref<128x128xf32, #tpu.memory_space<hbm>>)
      } else {
      }
      %dma_wait3A_215 = arith.constant 0 : i32
      %dma_wait3A_216 = arith.constant 0 : i32
      %dma_wait3A_217 = tpu.memref_slice %arg6[%dma_wait3A_215, %dma_wait3A_216] : memref<6x128xi32, #tpu.memory_space<vmem>> -> memref<2x128xi32, #tpu.memory_space<vmem>>
      %dma_wait3A_218 = arith.constant 0 : i32
      %dma_wait3A_219 = arith.constant 0 : i32
      %dma_wait3A_220 = tpu.memref_slice %arg3[%dma_wait3A_218, %dma_wait3A_219] : memref<6400x128xi32, #tpu.memory_space<hbm>> -> memref<2x128xi32, #tpu.memory_space<hbm>>
      %dma_wait3A_221 = arith.constant 0 : i32
      %dma_wait3A_222 = arith.constant 0 : i32
      %dma_wait3A_223 = tpu.memref_slice %arg6[%dma_wait3A_221, %dma_wait3A_222] : memref<6x128xi32, #tpu.memory_space<vmem>> -> memref<2x128xi32, #tpu.memory_space<vmem>>
      %dma_wait3A_224 = arith.constant 0 : i32
      %dma_wait3A_225 = arith.constant 0 : i32
      %dma_wait3A_226 = tpu.memref_slice %arg3[%dma_wait3A_224, %dma_wait3A_225] : memref<6400x128xi32, #tpu.memory_space<hbm>> -> memref<2x128xi32, #tpu.memory_space<hbm>>
      tpu.wait_dma2 semaphore(%arg20 : memref<!tpu.dma_semaphore, #tpu.memory_space<semaphore_mem>>) src(%dma_wait3A_226 : memref<2x128xi32, #tpu.memory_space<hbm>>) dst(%dma_wait3A_223 : memref<2x128xi32, #tpu.memory_space<vmem>>)
      %dma_start3A_227 = arith.constant 0 : i32
      %dma_start3A_228 = arith.constant 0 : i32
      %dma_start3A_229 = arith.constant 0 : i32
      %dma_start3A_230 = tpu.memref_slice %arg7[%dma_start3A_228, %dma_start3A_229] : memref<768x128xf32, #tpu.memory_space<vmem>> -> memref<128x128xf32, #tpu.memory_space<vmem>>
      %dma_start3A_231 = arith.constant 0 : i32
      %dma_start3A_232 = tpu.memref_slice %arg6[%dma_start3A_227, %dma_start3A_231] : memref<6x128xi32, #tpu.memory_space<vmem>> -> memref<1x128xi32, #tpu.memory_space<vmem>>
      %dma_start3A_233 = tpu.memref_squeeze %dma_start3A_232 : memref<1x128xi32, #tpu.memory_space<vmem>> -> memref<128xi32, #tpu.memory_space<vmem>>
      %dma_start3A_234 = arith.constant 0 : i32
      %dma_start3A_235 = arith.constant 0 : i32
      %dma_start3A_236 = tpu.memref_slice %arg5[%dma_start3A_234, %dma_start3A_235] : memref<1000x128xf32, #tpu.memory_space<vmem_shared>> -> memref<1000x128xf32, #tpu.memory_space<vmem_shared>>
      tpu.enqueue_indirect_dma source(%dma_start3A_236 : memref<1000x128xf32, #tpu.memory_space<vmem_shared>>) target(%dma_start3A_230 : memref<128x128xf32, #tpu.memory_space<vmem>>) offsets(%dma_start3A_233 : memref<128xi32, #tpu.memory_space<vmem>>) semaphore(%arg8 : memref<!tpu.dma_semaphore, #tpu.memory_space<semaphore_mem>>)
      %dma_start3A_237 = arith.constant 1 : i32
      %dma_start3A_238 = arith.constant 128 : i32
      %dma_start3A_239 = arith.constant 0 : i32
      %dma_start3A_240 = tpu.memref_slice %arg7[%dma_start3A_238, %dma_start3A_239] : memref<768x128xf32, #tpu.memory_space<vmem>> -> memref<128x128xf32, #tpu.memory_space<vmem>>
      %dma_start3A_241 = arith.constant 0 : i32
      %dma_start3A_242 = tpu.memref_slice %arg6[%dma_start3A_237, %dma_start3A_241] : memref<6x128xi32, #tpu.memory_space<vmem>> -> memref<1x128xi32, #tpu.memory_space<vmem>>
      %dma_start3A_243 = tpu.memref_squeeze %dma_start3A_242 : memref<1x128xi32, #tpu.memory_space<vmem>> -> memref<128xi32, #tpu.memory_space<vmem>>
      %dma_start3A_244 = arith.constant 0 : i32
      %dma_start3A_245 = arith.constant 0 : i32
      %dma_start3A_246 = tpu.memref_slice %arg5[%dma_start3A_244, %dma_start3A_245] : memref<1000x128xf32, #tpu.memory_space<vmem_shared>> -> memref<1000x128xf32, #tpu.memory_space<vmem_shared>>
      tpu.enqueue_indirect_dma source(%dma_start3A_246 : memref<1000x128xf32, #tpu.memory_space<vmem_shared>>) target(%dma_start3A_240 : memref<128x128xf32, #tpu.memory_space<vmem>>) offsets(%dma_start3A_243 : memref<128xi32, #tpu.memory_space<vmem>>) semaphore(%arg9 : memref<!tpu.dma_semaphore, #tpu.memory_space<semaphore_mem>>)
      %mul3A_247 = arith.constant 3 : i32
      %mul3A_248 = arith.muli %scan3A_206, %mul3A_247 : i32
      %add3A_249 = arith.constant 1 : i32
      %add3A_250 = arith.addi %mul3A_248, %add3A_249 : i32
      %gt3A_251 = arith.constant 0 : i32
      %gt3A_252 = arith.cmpi sgt, %scan3A_206, %gt3A_251 : i32
      %convert_element_type3A_253 = arith.extui %gt3A_252 : i1 to i32
      %cond3A_254 = arith.constant 0 : i32
      %cond3A_255 = arith.cmpi ne, %convert_element_type3A_253, %cond3A_254 : i32
      scf.if %cond3A_255 {
        %dma_wait3A_511 = arith.constant 256 : i32
        %dma_wait3A_512 = arith.constant 0 : i32
        %dma_wait3A_513 = tpu.memref_slice %arg7[%dma_wait3A_511, %dma_wait3A_512] : memref<768x128xf32, #tpu.memory_space<vmem>> -> memref<128x128xf32, #tpu.memory_space<vmem>>
        %dma_wait3A_514 = arith.constant 0 : i32
        %dma_wait3A_515 = tpu.memref_slice %arg4[%mul3A_4, %dma_wait3A_514] : memref<819200x128xf32, #tpu.memory_space<hbm>> -> memref<128x128xf32, #tpu.memory_space<hbm>>
        %dma_wait3A_516 = arith.constant 0 : i32
        %dma_wait3A_517 = tpu.memref_slice %arg4[%mul3A_4, %dma_wait3A_516] : memref<819200x128xf32, #tpu.memory_space<hbm>> -> memref<128x128xf32, #tpu.memory_space<hbm>>
        %dma_wait3A_518 = arith.constant 256 : i32
        %dma_wait3A_519 = arith.constant 0 : i32
        %dma_wait3A_520 = tpu.memref_slice %arg7[%dma_wait3A_518, %dma_wait3A_519] : memref<768x128xf32, #tpu.memory_space<vmem>> -> memref<128x128xf32, #tpu.memory_space<vmem>>
        tpu.wait_dma2 semaphore(%arg16 : memref<!tpu.dma_semaphore, #tpu.memory_space<semaphore_mem>>) src(%dma_wait3A_520 : memref<128x128xf32, #tpu.memory_space<vmem>>) dst(%dma_wait3A_517 : memref<128x128xf32, #tpu.memory_space<hbm>>)
        %dma_wait3A_521 = arith.constant 256 : i32
        %dma_wait3A_522 = arith.constant 0 : i32
        %dma_wait3A_523 = tpu.memref_slice %arg7[%dma_wait3A_521, %dma_wait3A_522] : memref<768x128xf32, #tpu.memory_space<vmem>> -> memref<128x128xf32, #tpu.memory_space<vmem>>
        %dma_wait3A_524 = arith.constant 0 : i32
        %dma_wait3A_525 = tpu.memref_slice %arg4[%mul3A_4, %dma_wait3A_524] : memref<819200x128xf32, #tpu.memory_space<hbm>> -> memref<128x128xf32, #tpu.memory_space<hbm>>
        %dma_wait3A_526 = arith.constant 0 : i32
        %dma_wait3A_527 = tpu.memref_slice %arg4[%mul3A_4, %dma_wait3A_526] : memref<819200x128xf32, #tpu.memory_space<hbm>> -> memref<128x128xf32, #tpu.memory_space<hbm>>
        %dma_wait3A_528 = arith.constant 256 : i32
        %dma_wait3A_529 = arith.constant 0 : i32
        %dma_wait3A_530 = tpu.memref_slice %arg7[%dma_wait3A_528, %dma_wait3A_529] : memref<768x128xf32, #tpu.memory_space<vmem>> -> memref<128x128xf32, #tpu.memory_space<vmem>>
        tpu.wait_dma2 semaphore(%arg17 : memref<!tpu.dma_semaphore, #tpu.memory_space<semaphore_mem>>) src(%dma_wait3A_530 : memref<128x128xf32, #tpu.memory_space<vmem>>) dst(%dma_wait3A_527 : memref<128x128xf32, #tpu.memory_space<hbm>>)
      } else {
      }
      %dma_wait3A_256 = arith.constant 2 : i32
      %dma_wait3A_257 = arith.constant 0 : i32
      %dma_wait3A_258 = tpu.memref_slice %arg6[%dma_wait3A_256, %dma_wait3A_257] : memref<6x128xi32, #tpu.memory_space<vmem>> -> memref<2x128xi32, #tpu.memory_space<vmem>>
      %dma_wait3A_259 = arith.constant 0 : i32
      %dma_wait3A_260 = arith.constant 0 : i32
      %dma_wait3A_261 = tpu.memref_slice %arg3[%dma_wait3A_259, %dma_wait3A_260] : memref<6400x128xi32, #tpu.memory_space<hbm>> -> memref<2x128xi32, #tpu.memory_space<hbm>>
      %dma_wait3A_262 = arith.constant 2 : i32
      %dma_wait3A_263 = arith.constant 0 : i32
      %dma_wait3A_264 = tpu.memref_slice %arg6[%dma_wait3A_262, %dma_wait3A_263] : memref<6x128xi32, #tpu.memory_space<vmem>> -> memref<2x128xi32, #tpu.memory_space<vmem>>
      %dma_wait3A_265 = arith.constant 0 : i32
      %dma_wait3A_266 = arith.constant 0 : i32
      %dma_wait3A_267 = tpu.memref_slice %arg3[%dma_wait3A_265, %dma_wait3A_266] : memref<6400x128xi32, #tpu.memory_space<hbm>> -> memref<2x128xi32, #tpu.memory_space<hbm>>
      tpu.wait_dma2 semaphore(%arg21 : memref<!tpu.dma_semaphore, #tpu.memory_space<semaphore_mem>>) src(%dma_wait3A_267 : memref<2x128xi32, #tpu.memory_space<hbm>>) dst(%dma_wait3A_264 : memref<2x128xi32, #tpu.memory_space<vmem>>)
      %dma_start3A_268 = arith.constant 2 : i32
      %dma_start3A_269 = arith.constant 256 : i32
      %dma_start3A_270 = arith.constant 0 : i32
      %dma_start3A_271 = tpu.memref_slice %arg7[%dma_start3A_269, %dma_start3A_270] : memref<768x128xf32, #tpu.memory_space<vmem>> -> memref<128x128xf32, #tpu.memory_space<vmem>>
      %dma_start3A_272 = arith.constant 0 : i32
      %dma_start3A_273 = tpu.memref_slice %arg6[%dma_start3A_268, %dma_start3A_272] : memref<6x128xi32, #tpu.memory_space<vmem>> -> memref<1x128xi32, #tpu.memory_space<vmem>>
      %dma_start3A_274 = tpu.memref_squeeze %dma_start3A_273 : memref<1x128xi32, #tpu.memory_space<vmem>> -> memref<128xi32, #tpu.memory_space<vmem>>
      %dma_start3A_275 = arith.constant 0 : i32
      %dma_start3A_276 = arith.constant 0 : i32
      %dma_start3A_277 = tpu.memref_slice %arg5[%dma_start3A_275, %dma_start3A_276] : memref<1000x128xf32, #tpu.memory_space<vmem_shared>> -> memref<1000x128xf32, #tpu.memory_space<vmem_shared>>
      tpu.enqueue_indirect_dma source(%dma_start3A_277 : memref<1000x128xf32, #tpu.memory_space<vmem_shared>>) target(%dma_start3A_271 : memref<128x128xf32, #tpu.memory_space<vmem>>) offsets(%dma_start3A_274 : memref<128xi32, #tpu.memory_space<vmem>>) semaphore(%arg10 : memref<!tpu.dma_semaphore, #tpu.memory_space<semaphore_mem>>)
      %dma_start3A_278 = arith.constant 3 : i32
      %dma_start3A_279 = arith.constant 384 : i32
      %dma_start3A_280 = arith.constant 0 : i32
      %dma_start3A_281 = tpu.memref_slice %arg7[%dma_start3A_279, %dma_start3A_280] : memref<768x128xf32, #tpu.memory_space<vmem>> -> memref<128x128xf32, #tpu.memory_space<vmem>>
      %dma_start3A_282 = arith.constant 0 : i32
      %dma_start3A_283 = tpu.memref_slice %arg6[%dma_start3A_278, %dma_start3A_282] : memref<6x128xi32, #tpu.memory_space<vmem>> -> memref<1x128xi32, #tpu.memory_space<vmem>>
      %dma_start3A_284 = tpu.memref_squeeze %dma_start3A_283 : memref<1x128xi32, #tpu.memory_space<vmem>> -> memref<128xi32, #tpu.memory_space<vmem>>
      %dma_start3A_285 = arith.constant 0 : i32
      %dma_start3A_286 = arith.constant 0 : i32
      %dma_start3A_287 = tpu.memref_slice %arg5[%dma_start3A_285, %dma_start3A_286] : memref<1000x128xf32, #tpu.memory_space<vmem_shared>> -> memref<1000x128xf32, #tpu.memory_space<vmem_shared>>
      tpu.enqueue_indirect_dma source(%dma_start3A_287 : memref<1000x128xf32, #tpu.memory_space<vmem_shared>>) target(%dma_start3A_281 : memref<128x128xf32, #tpu.memory_space<vmem>>) offsets(%dma_start3A_284 : memref<128xi32, #tpu.memory_space<vmem>>) semaphore(%arg11 : memref<!tpu.dma_semaphore, #tpu.memory_space<semaphore_mem>>)
      %mul3A_288 = arith.constant 3 : i32
      %mul3A_289 = arith.muli %scan3A_206, %mul3A_288 : i32
      %add3A_290 = arith.constant 2 : i32
      %add3A_291 = arith.addi %mul3A_289, %add3A_290 : i32
      %gt3A_292 = arith.constant 0 : i32
      %gt3A_293 = arith.cmpi sgt, %scan3A_206, %gt3A_292 : i32
      %convert_element_type3A_294 = arith.extui %gt3A_293 : i1 to i32
      %cond3A_295 = arith.constant 0 : i32
      %cond3A_296 = arith.cmpi ne, %convert_element_type3A_294, %cond3A_295 : i32
      scf.if %cond3A_296 {
        %dma_wait3A_511 = arith.constant 512 : i32
        %dma_wait3A_512 = arith.constant 0 : i32
        %dma_wait3A_513 = tpu.memref_slice %arg7[%dma_wait3A_511, %dma_wait3A_512] : memref<768x128xf32, #tpu.memory_space<vmem>> -> memref<128x128xf32, #tpu.memory_space<vmem>>
        %dma_wait3A_514 = arith.constant 0 : i32
        %dma_wait3A_515 = tpu.memref_slice %arg4[%mul3A_4, %dma_wait3A_514] : memref<819200x128xf32, #tpu.memory_space<hbm>> -> memref<128x128xf32, #tpu.memory_space<hbm>>
        %dma_wait3A_516 = arith.constant 0 : i32
        %dma_wait3A_517 = tpu.memref_slice %arg4[%mul3A_4, %dma_wait3A_516] : memref<819200x128xf32, #tpu.memory_space<hbm>> -> memref<128x128xf32, #tpu.memory_space<hbm>>
        %dma_wait3A_518 = arith.constant 512 : i32
        %dma_wait3A_519 = arith.constant 0 : i32
        %dma_wait3A_520 = tpu.memref_slice %arg7[%dma_wait3A_518, %dma_wait3A_519] : memref<768x128xf32, #tpu.memory_space<vmem>> -> memref<128x128xf32, #tpu.memory_space<vmem>>
        tpu.wait_dma2 semaphore(%arg18 : memref<!tpu.dma_semaphore, #tpu.memory_space<semaphore_mem>>) src(%dma_wait3A_520 : memref<128x128xf32, #tpu.memory_space<vmem>>) dst(%dma_wait3A_517 : memref<128x128xf32, #tpu.memory_space<hbm>>)
        %dma_wait3A_521 = arith.constant 512 : i32
        %dma_wait3A_522 = arith.constant 0 : i32
        %dma_wait3A_523 = tpu.memref_slice %arg7[%dma_wait3A_521, %dma_wait3A_522] : memref<768x128xf32, #tpu.memory_space<vmem>> -> memref<128x128xf32, #tpu.memory_space<vmem>>
        %dma_wait3A_524 = arith.constant 0 : i32
        %dma_wait3A_525 = tpu.memref_slice %arg4[%mul3A_4, %dma_wait3A_524] : memref<819200x128xf32, #tpu.memory_space<hbm>> -> memref<128x128xf32, #tpu.memory_space<hbm>>
        %dma_wait3A_526 = arith.constant 0 : i32
        %dma_wait3A_527 = tpu.memref_slice %arg4[%mul3A_4, %dma_wait3A_526] : memref<819200x128xf32, #tpu.memory_space<hbm>> -> memref<128x128xf32, #tpu.memory_space<hbm>>
        %dma_wait3A_528 = arith.constant 512 : i32
        %dma_wait3A_529 = arith.constant 0 : i32
        %dma_wait3A_530 = tpu.memref_slice %arg7[%dma_wait3A_528, %dma_wait3A_529] : memref<768x128xf32, #tpu.memory_space<vmem>> -> memref<128x128xf32, #tpu.memory_space<vmem>>
        tpu.wait_dma2 semaphore(%arg19 : memref<!tpu.dma_semaphore, #tpu.memory_space<semaphore_mem>>) src(%dma_wait3A_530 : memref<128x128xf32, #tpu.memory_space<vmem>>) dst(%dma_wait3A_527 : memref<128x128xf32, #tpu.memory_space<hbm>>)
      } else {
      }
      %dma_wait3A_297 = arith.constant 4 : i32
      %dma_wait3A_298 = arith.constant 0 : i32
      %dma_wait3A_299 = tpu.memref_slice %arg6[%dma_wait3A_297, %dma_wait3A_298] : memref<6x128xi32, #tpu.memory_space<vmem>> -> memref<2x128xi32, #tpu.memory_space<vmem>>
      %dma_wait3A_300 = arith.constant 0 : i32
      %dma_wait3A_301 = arith.constant 0 : i32
      %dma_wait3A_302 = tpu.memref_slice %arg3[%dma_wait3A_300, %dma_wait3A_301] : memref<6400x128xi32, #tpu.memory_space<hbm>> -> memref<2x128xi32, #tpu.memory_space<hbm>>
      %dma_wait3A_303 = arith.constant 4 : i32
      %dma_wait3A_304 = arith.constant 0 : i32
      %dma_wait3A_305 = tpu.memref_slice %arg6[%dma_wait3A_303, %dma_wait3A_304] : memref<6x128xi32, #tpu.memory_space<vmem>> -> memref<2x128xi32, #tpu.memory_space<vmem>>
      %dma_wait3A_306 = arith.constant 0 : i32
      %dma_wait3A_307 = arith.constant 0 : i32
      %dma_wait3A_308 = tpu.memref_slice %arg3[%dma_wait3A_306, %dma_wait3A_307] : memref<6400x128xi32, #tpu.memory_space<hbm>> -> memref<2x128xi32, #tpu.memory_space<hbm>>
      tpu.wait_dma2 semaphore(%arg22 : memref<!tpu.dma_semaphore, #tpu.memory_space<semaphore_mem>>) src(%dma_wait3A_308 : memref<2x128xi32, #tpu.memory_space<hbm>>) dst(%dma_wait3A_305 : memref<2x128xi32, #tpu.memory_space<vmem>>)
      %dma_start3A_309 = arith.constant 4 : i32
      %dma_start3A_310 = arith.constant 512 : i32
      %dma_start3A_311 = arith.constant 0 : i32
      %dma_start3A_312 = tpu.memref_slice %arg7[%dma_start3A_310, %dma_start3A_311] : memref<768x128xf32, #tpu.memory_space<vmem>> -> memref<128x128xf32, #tpu.memory_space<vmem>>
      %dma_start3A_313 = arith.constant 0 : i32
      %dma_start3A_314 = tpu.memref_slice %arg6[%dma_start3A_309, %dma_start3A_313] : memref<6x128xi32, #tpu.memory_space<vmem>> -> memref<1x128xi32, #tpu.memory_space<vmem>>
      %dma_start3A_315 = tpu.memref_squeeze %dma_start3A_314 : memref<1x128xi32, #tpu.memory_space<vmem>> -> memref<128xi32, #tpu.memory_space<vmem>>
      %dma_start3A_316 = arith.constant 0 : i32
      %dma_start3A_317 = arith.constant 0 : i32
      %dma_start3A_318 = tpu.memref_slice %arg5[%dma_start3A_316, %dma_start3A_317] : memref<1000x128xf32, #tpu.memory_space<vmem_shared>> -> memref<1000x128xf32, #tpu.memory_space<vmem_shared>>
      tpu.enqueue_indirect_dma source(%dma_start3A_318 : memref<1000x128xf32, #tpu.memory_space<vmem_shared>>) target(%dma_start3A_312 : memref<128x128xf32, #tpu.memory_space<vmem>>) offsets(%dma_start3A_315 : memref<128xi32, #tpu.memory_space<vmem>>) semaphore(%arg12 : memref<!tpu.dma_semaphore, #tpu.memory_space<semaphore_mem>>)
      %dma_start3A_319 = arith.constant 5 : i32
      %dma_start3A_320 = arith.constant 640 : i32
      %dma_start3A_321 = arith.constant 0 : i32
      %dma_start3A_322 = tpu.memref_slice %arg7[%dma_start3A_320, %dma_start3A_321] : memref<768x128xf32, #tpu.memory_space<vmem>> -> memref<128x128xf32, #tpu.memory_space<vmem>>
      %dma_start3A_323 = arith.constant 0 : i32
      %dma_start3A_324 = tpu.memref_slice %arg6[%dma_start3A_319, %dma_start3A_323] : memref<6x128xi32, #tpu.memory_space<vmem>> -> memref<1x128xi32, #tpu.memory_space<vmem>>
      %dma_start3A_325 = tpu.memref_squeeze %dma_start3A_324 : memref<1x128xi32, #tpu.memory_space<vmem>> -> memref<128xi32, #tpu.memory_space<vmem>>
      %dma_start3A_326 = arith.constant 0 : i32
      %dma_start3A_327 = arith.constant 0 : i32
      %dma_start3A_328 = tpu.memref_slice %arg5[%dma_start3A_326, %dma_start3A_327] : memref<1000x128xf32, #tpu.memory_space<vmem_shared>> -> memref<1000x128xf32, #tpu.memory_space<vmem_shared>>
      tpu.enqueue_indirect_dma source(%dma_start3A_328 : memref<1000x128xf32, #tpu.memory_space<vmem_shared>>) target(%dma_start3A_322 : memref<128x128xf32, #tpu.memory_space<vmem>>) offsets(%dma_start3A_325 : memref<128xi32, #tpu.memory_space<vmem>>) semaphore(%arg13 : memref<!tpu.dma_semaphore, #tpu.memory_space<semaphore_mem>>)
      %mul3A_329 = arith.constant 3 : i32
      %mul3A_330 = arith.muli %scan3A_206, %mul3A_329 : i32
      %add3A_331 = arith.constant 0 : i32
      %add3A_332 = arith.addi %mul3A_330, %add3A_331 : i32
      %dma_wait3A_333 = arith.constant 0 : i32
      %dma_wait3A_334 = arith.constant 0 : i32
      %dma_wait3A_335 = arith.constant 0 : i32
      %dma_wait3A_336 = tpu.memref_slice %arg7[%dma_wait3A_334, %dma_wait3A_335] : memref<768x128xf32, #tpu.memory_space<vmem>> -> memref<128x128xf32, #tpu.memory_space<vmem>>
      %dma_wait3A_337 = arith.constant 0 : i32
      %dma_wait3A_338 = tpu.memref_slice %arg6[%dma_wait3A_333, %dma_wait3A_337] : memref<6x128xi32, #tpu.memory_space<vmem>> -> memref<1x128xi32, #tpu.memory_space<vmem>>
      %dma_wait3A_339 = tpu.memref_squeeze %dma_wait3A_338 : memref<1x128xi32, #tpu.memory_space<vmem>> -> memref<128xi32, #tpu.memory_space<vmem>>
      %dma_wait3A_340 = arith.constant 0 : i32
      %dma_wait3A_341 = arith.constant 0 : i32
      %dma_wait3A_342 = tpu.memref_slice %arg5[%dma_wait3A_340, %dma_wait3A_341] : memref<1000x128xf32, #tpu.memory_space<vmem_shared>> -> memref<1000x128xf32, #tpu.memory_space<vmem_shared>>
      tpu.wait_indirect_dma semaphore(%arg8 : memref<!tpu.dma_semaphore, #tpu.memory_space<semaphore_mem>>) src(%dma_wait3A_342 : memref<1000x128xf32, #tpu.memory_space<vmem_shared>>) dst(%dma_wait3A_336 : memref<128x128xf32, #tpu.memory_space<vmem>>)
      %dma_wait3A_343 = arith.constant 1 : i32
      %dma_wait3A_344 = arith.constant 128 : i32
      %dma_wait3A_345 = arith.constant 0 : i32
      %dma_wait3A_346 = tpu.memref_slice %arg7[%dma_wait3A_344, %dma_wait3A_345] : memref<768x128xf32, #tpu.memory_space<vmem>> -> memref<128x128xf32, #tpu.memory_space<vmem>>
      %dma_wait3A_347 = arith.constant 0 : i32
      %dma_wait3A_348 = tpu.memref_slice %arg6[%dma_wait3A_343, %dma_wait3A_347] : memref<6x128xi32, #tpu.memory_space<vmem>> -> memref<1x128xi32, #tpu.memory_space<vmem>>
      %dma_wait3A_349 = tpu.memref_squeeze %dma_wait3A_348 : memref<1x128xi32, #tpu.memory_space<vmem>> -> memref<128xi32, #tpu.memory_space<vmem>>
      %dma_wait3A_350 = arith.constant 0 : i32
      %dma_wait3A_351 = arith.constant 0 : i32
      %dma_wait3A_352 = tpu.memref_slice %arg5[%dma_wait3A_350, %dma_wait3A_351] : memref<1000x128xf32, #tpu.memory_space<vmem_shared>> -> memref<1000x128xf32, #tpu.memory_space<vmem_shared>>
      tpu.wait_indirect_dma semaphore(%arg9 : memref<!tpu.dma_semaphore, #tpu.memory_space<semaphore_mem>>) src(%dma_wait3A_352 : memref<1000x128xf32, #tpu.memory_space<vmem_shared>>) dst(%dma_wait3A_346 : memref<128x128xf32, #tpu.memory_space<vmem>>)
      %mul3A_353 = arith.constant 256 : i32
      %mul3A_354 = arith.muli %add3A_332, %mul3A_353 : i32
      %add3A_355 = arith.addi %mul3A_4, %mul3A_354 : i32
      %add3A_356 = arith.constant 0 : i32
      %add3A_357 = arith.addi %add3A_355, %add3A_356 : i32
      %dma_start3A_358 = arith.constant 0 : i32
      %dma_start3A_359 = arith.constant 0 : i32
      %dma_start3A_360 = tpu.memref_slice %arg7[%dma_start3A_358, %dma_start3A_359] : memref<768x128xf32, #tpu.memory_space<vmem>> -> memref<128x128xf32, #tpu.memory_space<vmem>>
      %dma_start3A_361 = arith.constant 0 : i32
      %dma_start3A_362 = tpu.memref_slice %arg4[%add3A_357, %dma_start3A_361] : memref<819200x128xf32, #tpu.memory_space<hbm>> -> memref<128x128xf32, #tpu.memory_space<hbm>>
      %dma_start3A_363 = arith.constant 0 : i32
      %dma_start3A_364 = tpu.memref_slice %arg4[%add3A_357, %dma_start3A_363] : memref<819200x128xf32, #tpu.memory_space<hbm>> -> memref<128x128xf32, #tpu.memory_space<hbm>>
      %dma_start3A_365 = arith.constant 0 : i32
      %dma_start3A_366 = arith.constant 0 : i32
      %dma_start3A_367 = tpu.memref_slice %arg7[%dma_start3A_365, %dma_start3A_366] : memref<768x128xf32, #tpu.memory_space<vmem>> -> memref<128x128xf32, #tpu.memory_space<vmem>>
      tpu.enqueue_dma source(%dma_start3A_367 : memref<128x128xf32, #tpu.memory_space<vmem>>) target(%dma_start3A_364 : memref<128x128xf32, #tpu.memory_space<hbm>>) target_semaphore(%arg14 : memref<!tpu.dma_semaphore, #tpu.memory_space<semaphore_mem>>)
      %mul3A_368 = arith.constant 256 : i32
      %mul3A_369 = arith.muli %add3A_332, %mul3A_368 : i32
      %add3A_370 = arith.addi %mul3A_4, %mul3A_369 : i32
      %add3A_371 = arith.constant 128 : i32
      %add3A_372 = arith.addi %add3A_370, %add3A_371 : i32
      %dma_start3A_373 = arith.constant 128 : i32
      %dma_start3A_374 = arith.constant 0 : i32
      %dma_start3A_375 = tpu.memref_slice %arg7[%dma_start3A_373, %dma_start3A_374] : memref<768x128xf32, #tpu.memory_space<vmem>> -> memref<128x128xf32, #tpu.memory_space<vmem>>
      %dma_start3A_376 = arith.constant 0 : i32
      %dma_start3A_377 = tpu.memref_slice %arg4[%add3A_372, %dma_start3A_376] : memref<819200x128xf32, #tpu.memory_space<hbm>> -> memref<128x128xf32, #tpu.memory_space<hbm>>
      %dma_start3A_378 = arith.constant 0 : i32
      %dma_start3A_379 = tpu.memref_slice %arg4[%add3A_372, %dma_start3A_378] : memref<819200x128xf32, #tpu.memory_space<hbm>> -> memref<128x128xf32, #tpu.memory_space<hbm>>
      %dma_start3A_380 = arith.constant 128 : i32
      %dma_start3A_381 = arith.constant 0 : i32
      %dma_start3A_382 = tpu.memref_slice %arg7[%dma_start3A_380, %dma_start3A_381] : memref<768x128xf32, #tpu.memory_space<vmem>> -> memref<128x128xf32, #tpu.memory_space<vmem>>
      tpu.enqueue_dma source(%dma_start3A_382 : memref<128x128xf32, #tpu.memory_space<vmem>>) target(%dma_start3A_379 : memref<128x128xf32, #tpu.memory_space<hbm>>) target_semaphore(%arg15 : memref<!tpu.dma_semaphore, #tpu.memory_space<semaphore_mem>>)
      %add3A_383 = arith.constant 3 : i32
      %add3A_384 = arith.addi %add3A_332, %add3A_383 : i32
      %lt3A = arith.constant 100 : i32
      %lt3A_385 = arith.cmpi slt, %add3A_384, %lt3A : i32
      %convert_element_type3A_386 = arith.extui %lt3A_385 : i1 to i32
      %cond3A_387 = arith.constant 0 : i32
      %cond3A_388 = arith.cmpi ne, %convert_element_type3A_386, %cond3A_387 : i32
      scf.if %cond3A_388 {
        %add3A_511 = arith.constant 3 : i32
        %add3A_512 = arith.addi %add3A_332, %add3A_511 : i32
        %mul3A_513 = arith.constant 2 : i32
        %mul3A_514 = arith.muli %add3A_512, %mul3A_513 : i32
        %add3A_515 = arith.addi %mul3A_2, %mul3A_514 : i32
        %dma_start3A_516 = arith.constant 0 : i32
        %dma_start3A_517 = arith.constant 0 : i32
        %dma_start3A_518 = tpu.memref_slice %arg6[%dma_start3A_516, %dma_start3A_517] : memref<6x128xi32, #tpu.memory_space<vmem>> -> memref<2x128xi32, #tpu.memory_space<vmem>>
        %dma_start3A_519 = arith.constant 0 : i32
        %dma_start3A_520 = tpu.memref_slice %arg3[%add3A_515, %dma_start3A_519] : memref<6400x128xi32, #tpu.memory_space<hbm>> -> memref<2x128xi32, #tpu.memory_space<hbm>>
        %dma_start3A_521 = arith.constant 0 : i32
        %dma_start3A_522 = arith.constant 0 : i32
        %dma_start3A_523 = tpu.memref_slice %arg6[%dma_start3A_521, %dma_start3A_522] : memref<6x128xi32, #tpu.memory_space<vmem>> -> memref<2x128xi32, #tpu.memory_space<vmem>>
        %dma_start3A_524 = arith.constant 0 : i32
        %dma_start3A_525 = tpu.memref_slice %arg3[%add3A_515, %dma_start3A_524] : memref<6400x128xi32, #tpu.memory_space<hbm>> -> memref<2x128xi32, #tpu.memory_space<hbm>>
        tpu.enqueue_dma source(%dma_start3A_525 : memref<2x128xi32, #tpu.memory_space<hbm>>) target(%dma_start3A_523 : memref<2x128xi32, #tpu.memory_space<vmem>>) target_semaphore(%arg20 : memref<!tpu.dma_semaphore, #tpu.memory_space<semaphore_mem>>)
      } else {
      }
      %mul3A_389 = arith.constant 3 : i32
      %mul3A_390 = arith.muli %scan3A_206, %mul3A_389 : i32
      %add3A_391 = arith.constant 1 : i32
      %add3A_392 = arith.addi %mul3A_390, %add3A_391 : i32
      %dma_wait3A_393 = arith.constant 2 : i32
      %dma_wait3A_394 = arith.constant 256 : i32
      %dma_wait3A_395 = arith.constant 0 : i32
      %dma_wait3A_396 = tpu.memref_slice %arg7[%dma_wait3A_394, %dma_wait3A_395] : memref<768x128xf32, #tpu.memory_space<vmem>> -> memref<128x128xf32, #tpu.memory_space<vmem>>
      %dma_wait3A_397 = arith.constant 0 : i32
      %dma_wait3A_398 = tpu.memref_slice %arg6[%dma_wait3A_393, %dma_wait3A_397] : memref<6x128xi32, #tpu.memory_space<vmem>> -> memref<1x128xi32, #tpu.memory_space<vmem>>
      %dma_wait3A_399 = tpu.memref_squeeze %dma_wait3A_398 : memref<1x128xi32, #tpu.memory_space<vmem>> -> memref<128xi32, #tpu.memory_space<vmem>>
      %dma_wait3A_400 = arith.constant 0 : i32
      %dma_wait3A_401 = arith.constant 0 : i32
      %dma_wait3A_402 = tpu.memref_slice %arg5[%dma_wait3A_400, %dma_wait3A_401] : memref<1000x128xf32, #tpu.memory_space<vmem_shared>> -> memref<1000x128xf32, #tpu.memory_space<vmem_shared>>
      tpu.wait_indirect_dma semaphore(%arg10 : memref<!tpu.dma_semaphore, #tpu.memory_space<semaphore_mem>>) src(%dma_wait3A_402 : memref<1000x128xf32, #tpu.memory_space<vmem_shared>>) dst(%dma_wait3A_396 : memref<128x128xf32, #tpu.memory_space<vmem>>)
      %dma_wait3A_403 = arith.constant 3 : i32
      %dma_wait3A_404 = arith.constant 384 : i32
      %dma_wait3A_405 = arith.constant 0 : i32
      %dma_wait3A_406 = tpu.memref_slice %arg7[%dma_wait3A_404, %dma_wait3A_405] : memref<768x128xf32, #tpu.memory_space<vmem>> -> memref<128x128xf32, #tpu.memory_space<vmem>>
      %dma_wait3A_407 = arith.constant 0 : i32
      %dma_wait3A_408 = tpu.memref_slice %arg6[%dma_wait3A_403, %dma_wait3A_407] : memref<6x128xi32, #tpu.memory_space<vmem>> -> memref<1x128xi32, #tpu.memory_space<vmem>>
      %dma_wait3A_409 = tpu.memref_squeeze %dma_wait3A_408 : memref<1x128xi32, #tpu.memory_space<vmem>> -> memref<128xi32, #tpu.memory_space<vmem>>
      %dma_wait3A_410 = arith.constant 0 : i32
      %dma_wait3A_411 = arith.constant 0 : i32
      %dma_wait3A_412 = tpu.memref_slice %arg5[%dma_wait3A_410, %dma_wait3A_411] : memref<1000x128xf32, #tpu.memory_space<vmem_shared>> -> memref<1000x128xf32, #tpu.memory_space<vmem_shared>>
      tpu.wait_indirect_dma semaphore(%arg11 : memref<!tpu.dma_semaphore, #tpu.memory_space<semaphore_mem>>) src(%dma_wait3A_412 : memref<1000x128xf32, #tpu.memory_space<vmem_shared>>) dst(%dma_wait3A_406 : memref<128x128xf32, #tpu.memory_space<vmem>>)
      %mul3A_413 = arith.constant 256 : i32
      %mul3A_414 = arith.muli %add3A_392, %mul3A_413 : i32
      %add3A_415 = arith.addi %mul3A_4, %mul3A_414 : i32
      %add3A_416 = arith.constant 0 : i32
      %add3A_417 = arith.addi %add3A_415, %add3A_416 : i32
      %dma_start3A_418 = arith.constant 256 : i32
      %dma_start3A_419 = arith.constant 0 : i32
      %dma_start3A_420 = tpu.memref_slice %arg7[%dma_start3A_418, %dma_start3A_419] : memref<768x128xf32, #tpu.memory_space<vmem>> -> memref<128x128xf32, #tpu.memory_space<vmem>>
      %dma_start3A_421 = arith.constant 0 : i32
      %dma_start3A_422 = tpu.memref_slice %arg4[%add3A_417, %dma_start3A_421] : memref<819200x128xf32, #tpu.memory_space<hbm>> -> memref<128x128xf32, #tpu.memory_space<hbm>>
      %dma_start3A_423 = arith.constant 0 : i32
      %dma_start3A_424 = tpu.memref_slice %arg4[%add3A_417, %dma_start3A_423] : memref<819200x128xf32, #tpu.memory_space<hbm>> -> memref<128x128xf32, #tpu.memory_space<hbm>>
      %dma_start3A_425 = arith.constant 256 : i32
      %dma_start3A_426 = arith.constant 0 : i32
      %dma_start3A_427 = tpu.memref_slice %arg7[%dma_start3A_425, %dma_start3A_426] : memref<768x128xf32, #tpu.memory_space<vmem>> -> memref<128x128xf32, #tpu.memory_space<vmem>>
      tpu.enqueue_dma source(%dma_start3A_427 : memref<128x128xf32, #tpu.memory_space<vmem>>) target(%dma_start3A_424 : memref<128x128xf32, #tpu.memory_space<hbm>>) target_semaphore(%arg16 : memref<!tpu.dma_semaphore, #tpu.memory_space<semaphore_mem>>)
      %mul3A_428 = arith.constant 256 : i32
      %mul3A_429 = arith.muli %add3A_392, %mul3A_428 : i32
      %add3A_430 = arith.addi %mul3A_4, %mul3A_429 : i32
      %add3A_431 = arith.constant 128 : i32
      %add3A_432 = arith.addi %add3A_430, %add3A_431 : i32
      %dma_start3A_433 = arith.constant 384 : i32
      %dma_start3A_434 = arith.constant 0 : i32
      %dma_start3A_435 = tpu.memref_slice %arg7[%dma_start3A_433, %dma_start3A_434] : memref<768x128xf32, #tpu.memory_space<vmem>> -> memref<128x128xf32, #tpu.memory_space<vmem>>
      %dma_start3A_436 = arith.constant 0 : i32
      %dma_start3A_437 = tpu.memref_slice %arg4[%add3A_432, %dma_start3A_436] : memref<819200x128xf32, #tpu.memory_space<hbm>> -> memref<128x128xf32, #tpu.memory_space<hbm>>
      %dma_start3A_438 = arith.constant 0 : i32
      %dma_start3A_439 = tpu.memref_slice %arg4[%add3A_432, %dma_start3A_438] : memref<819200x128xf32, #tpu.memory_space<hbm>> -> memref<128x128xf32, #tpu.memory_space<hbm>>
      %dma_start3A_440 = arith.constant 384 : i32
      %dma_start3A_441 = arith.constant 0 : i32
      %dma_start3A_442 = tpu.memref_slice %arg7[%dma_start3A_440, %dma_start3A_441] : memref<768x128xf32, #tpu.memory_space<vmem>> -> memref<128x128xf32, #tpu.memory_space<vmem>>
      tpu.enqueue_dma source(%dma_start3A_442 : memref<128x128xf32, #tpu.memory_space<vmem>>) target(%dma_start3A_439 : memref<128x128xf32, #tpu.memory_space<hbm>>) target_semaphore(%arg17 : memref<!tpu.dma_semaphore, #tpu.memory_space<semaphore_mem>>)
      %add3A_443 = arith.constant 3 : i32
      %add3A_444 = arith.addi %add3A_392, %add3A_443 : i32
      %lt3A_445 = arith.constant 100 : i32
      %lt3A_446 = arith.cmpi slt, %add3A_444, %lt3A_445 : i32
      %convert_element_type3A_447 = arith.extui %lt3A_446 : i1 to i32
      %cond3A_448 = arith.constant 0 : i32
      %cond3A_449 = arith.cmpi ne, %convert_element_type3A_447, %cond3A_448 : i32
      scf.if %cond3A_449 {
        %add3A_511 = arith.constant 3 : i32
        %add3A_512 = arith.addi %add3A_392, %add3A_511 : i32
        %mul3A_513 = arith.constant 2 : i32
        %mul3A_514 = arith.muli %add3A_512, %mul3A_513 : i32
        %add3A_515 = arith.addi %mul3A_2, %mul3A_514 : i32
        %dma_start3A_516 = arith.constant 2 : i32
        %dma_start3A_517 = arith.constant 0 : i32
        %dma_start3A_518 = tpu.memref_slice %arg6[%dma_start3A_516, %dma_start3A_517] : memref<6x128xi32, #tpu.memory_space<vmem>> -> memref<2x128xi32, #tpu.memory_space<vmem>>
        %dma_start3A_519 = arith.constant 0 : i32
        %dma_start3A_520 = tpu.memref_slice %arg3[%add3A_515, %dma_start3A_519] : memref<6400x128xi32, #tpu.memory_space<hbm>> -> memref<2x128xi32, #tpu.memory_space<hbm>>
        %dma_start3A_521 = arith.constant 2 : i32
        %dma_start3A_522 = arith.constant 0 : i32
        %dma_start3A_523 = tpu.memref_slice %arg6[%dma_start3A_521, %dma_start3A_522] : memref<6x128xi32, #tpu.memory_space<vmem>> -> memref<2x128xi32, #tpu.memory_space<vmem>>
        %dma_start3A_524 = arith.constant 0 : i32
        %dma_start3A_525 = tpu.memref_slice %arg3[%add3A_515, %dma_start3A_524] : memref<6400x128xi32, #tpu.memory_space<hbm>> -> memref<2x128xi32, #tpu.memory_space<hbm>>
        tpu.enqueue_dma source(%dma_start3A_525 : memref<2x128xi32, #tpu.memory_space<hbm>>) target(%dma_start3A_523 : memref<2x128xi32, #tpu.memory_space<vmem>>) target_semaphore(%arg21 : memref<!tpu.dma_semaphore, #tpu.memory_space<semaphore_mem>>)
      } else {
      }
      %mul3A_450 = arith.constant 3 : i32
      %mul3A_451 = arith.muli %scan3A_206, %mul3A_450 : i32
      %add3A_452 = arith.constant 2 : i32
      %add3A_453 = arith.addi %mul3A_451, %add3A_452 : i32
      %dma_wait3A_454 = arith.constant 4 : i32
      %dma_wait3A_455 = arith.constant 512 : i32
      %dma_wait3A_456 = arith.constant 0 : i32
      %dma_wait3A_457 = tpu.memref_slice %arg7[%dma_wait3A_455, %dma_wait3A_456] : memref<768x128xf32, #tpu.memory_space<vmem>> -> memref<128x128xf32, #tpu.memory_space<vmem>>
      %dma_wait3A_458 = arith.constant 0 : i32
      %dma_wait3A_459 = tpu.memref_slice %arg6[%dma_wait3A_454, %dma_wait3A_458] : memref<6x128xi32, #tpu.memory_space<vmem>> -> memref<1x128xi32, #tpu.memory_space<vmem>>
      %dma_wait3A_460 = tpu.memref_squeeze %dma_wait3A_459 : memref<1x128xi32, #tpu.memory_space<vmem>> -> memref<128xi32, #tpu.memory_space<vmem>>
      %dma_wait3A_461 = arith.constant 0 : i32
      %dma_wait3A_462 = arith.constant 0 : i32
      %dma_wait3A_463 = tpu.memref_slice %arg5[%dma_wait3A_461, %dma_wait3A_462] : memref<1000x128xf32, #tpu.memory_space<vmem_shared>> -> memref<1000x128xf32, #tpu.memory_space<vmem_shared>>
      tpu.wait_indirect_dma semaphore(%arg12 : memref<!tpu.dma_semaphore, #tpu.memory_space<semaphore_mem>>) src(%dma_wait3A_463 : memref<1000x128xf32, #tpu.memory_space<vmem_shared>>) dst(%dma_wait3A_457 : memref<128x128xf32, #tpu.memory_space<vmem>>)
      %dma_wait3A_464 = arith.constant 5 : i32
      %dma_wait3A_465 = arith.constant 640 : i32
      %dma_wait3A_466 = arith.constant 0 : i32
      %dma_wait3A_467 = tpu.memref_slice %arg7[%dma_wait3A_465, %dma_wait3A_466] : memref<768x128xf32, #tpu.memory_space<vmem>> -> memref<128x128xf32, #tpu.memory_space<vmem>>
      %dma_wait3A_468 = arith.constant 0 : i32
      %dma_wait3A_469 = tpu.memref_slice %arg6[%dma_wait3A_464, %dma_wait3A_468] : memref<6x128xi32, #tpu.memory_space<vmem>> -> memref<1x128xi32, #tpu.memory_space<vmem>>
      %dma_wait3A_470 = tpu.memref_squeeze %dma_wait3A_469 : memref<1x128xi32, #tpu.memory_space<vmem>> -> memref<128xi32, #tpu.memory_space<vmem>>
      %dma_wait3A_471 = arith.constant 0 : i32
      %dma_wait3A_472 = arith.constant 0 : i32
      %dma_wait3A_473 = tpu.memref_slice %arg5[%dma_wait3A_471, %dma_wait3A_472] : memref<1000x128xf32, #tpu.memory_space<vmem_shared>> -> memref<1000x128xf32, #tpu.memory_space<vmem_shared>>
      tpu.wait_indirect_dma semaphore(%arg13 : memref<!tpu.dma_semaphore, #tpu.memory_space<semaphore_mem>>) src(%dma_wait3A_473 : memref<1000x128xf32, #tpu.memory_space<vmem_shared>>) dst(%dma_wait3A_467 : memref<128x128xf32, #tpu.memory_space<vmem>>)
      %mul3A_474 = arith.constant 256 : i32
      %mul3A_475 = arith.muli %add3A_453, %mul3A_474 : i32
      %add3A_476 = arith.addi %mul3A_4, %mul3A_475 : i32
      %add3A_477 = arith.constant 0 : i32
      %add3A_478 = arith.addi %add3A_476, %add3A_477 : i32
      %dma_start3A_479 = arith.constant 512 : i32
      %dma_start3A_480 = arith.constant 0 : i32
      %dma_start3A_481 = tpu.memref_slice %arg7[%dma_start3A_479, %dma_start3A_480] : memref<768x128xf32, #tpu.memory_space<vmem>> -> memref<128x128xf32, #tpu.memory_space<vmem>>
      %dma_start3A_482 = arith.constant 0 : i32
      %dma_start3A_483 = tpu.memref_slice %arg4[%add3A_478, %dma_start3A_482] : memref<819200x128xf32, #tpu.memory_space<hbm>> -> memref<128x128xf32, #tpu.memory_space<hbm>>
      %dma_start3A_484 = arith.constant 0 : i32
      %dma_start3A_485 = tpu.memref_slice %arg4[%add3A_478, %dma_start3A_484] : memref<819200x128xf32, #tpu.memory_space<hbm>> -> memref<128x128xf32, #tpu.memory_space<hbm>>
      %dma_start3A_486 = arith.constant 512 : i32
      %dma_start3A_487 = arith.constant 0 : i32
      %dma_start3A_488 = tpu.memref_slice %arg7[%dma_start3A_486, %dma_start3A_487] : memref<768x128xf32, #tpu.memory_space<vmem>> -> memref<128x128xf32, #tpu.memory_space<vmem>>
      tpu.enqueue_dma source(%dma_start3A_488 : memref<128x128xf32, #tpu.memory_space<vmem>>) target(%dma_start3A_485 : memref<128x128xf32, #tpu.memory_space<hbm>>) target_semaphore(%arg18 : memref<!tpu.dma_semaphore, #tpu.memory_space<semaphore_mem>>)
      %mul3A_489 = arith.constant 256 : i32
      %mul3A_490 = arith.muli %add3A_453, %mul3A_489 : i32
      %add3A_491 = arith.addi %mul3A_4, %mul3A_490 : i32
      %add3A_492 = arith.constant 128 : i32
      %add3A_493 = arith.addi %add3A_491, %add3A_492 : i32
      %dma_start3A_494 = arith.constant 640 : i32
      %dma_start3A_495 = arith.constant 0 : i32
      %dma_start3A_496 = tpu.memref_slice %arg7[%dma_start3A_494, %dma_start3A_495] : memref<768x128xf32, #tpu.memory_space<vmem>> -> memref<128x128xf32, #tpu.memory_space<vmem>>
      %dma_start3A_497 = arith.constant 0 : i32
      %dma_start3A_498 = tpu.memref_slice %arg4[%add3A_493, %dma_start3A_497] : memref<819200x128xf32, #tpu.memory_space<hbm>> -> memref<128x128xf32, #tpu.memory_space<hbm>>
      %dma_start3A_499 = arith.constant 0 : i32
      %dma_start3A_500 = tpu.memref_slice %arg4[%add3A_493, %dma_start3A_499] : memref<819200x128xf32, #tpu.memory_space<hbm>> -> memref<128x128xf32, #tpu.memory_space<hbm>>
      %dma_start3A_501 = arith.constant 640 : i32
      %dma_start3A_502 = arith.constant 0 : i32
      %dma_start3A_503 = tpu.memref_slice %arg7[%dma_start3A_501, %dma_start3A_502] : memref<768x128xf32, #tpu.memory_space<vmem>> -> memref<128x128xf32, #tpu.memory_space<vmem>>
      tpu.enqueue_dma source(%dma_start3A_503 : memref<128x128xf32, #tpu.memory_space<vmem>>) target(%dma_start3A_500 : memref<128x128xf32, #tpu.memory_space<hbm>>) target_semaphore(%arg19 : memref<!tpu.dma_semaphore, #tpu.memory_space<semaphore_mem>>)
      %add3A_504 = arith.constant 3 : i32
      %add3A_505 = arith.addi %add3A_453, %add3A_504 : i32
      %lt3A_506 = arith.constant 100 : i32
      %lt3A_507 = arith.cmpi slt, %add3A_505, %lt3A_506 : i32
      %convert_element_type3A_508 = arith.extui %lt3A_507 : i1 to i32
      %cond3A_509 = arith.constant 0 : i32
      %cond3A_510 = arith.cmpi ne, %convert_element_type3A_508, %cond3A_509 : i32
      scf.if %cond3A_510 {
        %add3A_511 = arith.constant 3 : i32
        %add3A_512 = arith.addi %add3A_453, %add3A_511 : i32
        %mul3A_513 = arith.constant 2 : i32
        %mul3A_514 = arith.muli %add3A_512, %mul3A_513 : i32
        %add3A_515 = arith.addi %mul3A_2, %mul3A_514 : i32
        %dma_start3A_516 = arith.constant 4 : i32
        %dma_start3A_517 = arith.constant 0 : i32
        %dma_start3A_518 = tpu.memref_slice %arg6[%dma_start3A_516, %dma_start3A_517] : memref<6x128xi32, #tpu.memory_space<vmem>> -> memref<2x128xi32, #tpu.memory_space<vmem>>
        %dma_start3A_519 = arith.constant 0 : i32
        %dma_start3A_520 = tpu.memref_slice %arg3[%add3A_515, %dma_start3A_519] : memref<6400x128xi32, #tpu.memory_space<hbm>> -> memref<2x128xi32, #tpu.memory_space<hbm>>
        %dma_start3A_521 = arith.constant 4 : i32
        %dma_start3A_522 = arith.constant 0 : i32
        %dma_start3A_523 = tpu.memref_slice %arg6[%dma_start3A_521, %dma_start3A_522] : memref<6x128xi32, #tpu.memory_space<vmem>> -> memref<2x128xi32, #tpu.memory_space<vmem>>
        %dma_start3A_524 = arith.constant 0 : i32
        %dma_start3A_525 = tpu.memref_slice %arg3[%add3A_515, %dma_start3A_524] : memref<6400x128xi32, #tpu.memory_space<hbm>> -> memref<2x128xi32, #tpu.memory_space<hbm>>
        tpu.enqueue_dma source(%dma_start3A_525 : memref<2x128xi32, #tpu.memory_space<hbm>>) target(%dma_start3A_523 : memref<2x128xi32, #tpu.memory_space<vmem>>) target_semaphore(%arg22 : memref<!tpu.dma_semaphore, #tpu.memory_space<semaphore_mem>>)
      } else {
      }
    }
    %scan3A_46 = arith.constant 33 : i32
    %dma_wait3A = arith.constant 0 : i32
    %dma_wait3A_47 = arith.constant 0 : i32
    %dma_wait3A_48 = tpu.memref_slice %arg7[%dma_wait3A, %dma_wait3A_47] : memref<768x128xf32, #tpu.memory_space<vmem>> -> memref<128x128xf32, #tpu.memory_space<vmem>>
    %dma_wait3A_49 = arith.constant 0 : i32
    %dma_wait3A_50 = tpu.memref_slice %arg4[%mul3A_4, %dma_wait3A_49] : memref<819200x128xf32, #tpu.memory_space<hbm>> -> memref<128x128xf32, #tpu.memory_space<hbm>>
    %dma_wait3A_51 = arith.constant 0 : i32
    %dma_wait3A_52 = tpu.memref_slice %arg4[%mul3A_4, %dma_wait3A_51] : memref<819200x128xf32, #tpu.memory_space<hbm>> -> memref<128x128xf32, #tpu.memory_space<hbm>>
    %dma_wait3A_53 = arith.constant 0 : i32
    %dma_wait3A_54 = arith.constant 0 : i32
    %dma_wait3A_55 = tpu.memref_slice %arg7[%dma_wait3A_53, %dma_wait3A_54] : memref<768x128xf32, #tpu.memory_space<vmem>> -> memref<128x128xf32, #tpu.memory_space<vmem>>
    tpu.wait_dma2 semaphore(%arg14 : memref<!tpu.dma_semaphore, #tpu.memory_space<semaphore_mem>>) src(%dma_wait3A_55 : memref<128x128xf32, #tpu.memory_space<vmem>>) dst(%dma_wait3A_52 : memref<128x128xf32, #tpu.memory_space<hbm>>)
    %dma_wait3A_56 = arith.constant 0 : i32
    %dma_wait3A_57 = arith.constant 0 : i32
    %dma_wait3A_58 = tpu.memref_slice %arg7[%dma_wait3A_56, %dma_wait3A_57] : memref<768x128xf32, #tpu.memory_space<vmem>> -> memref<128x128xf32, #tpu.memory_space<vmem>>
    %dma_wait3A_59 = arith.constant 0 : i32
    %dma_wait3A_60 = tpu.memref_slice %arg4[%mul3A_4, %dma_wait3A_59] : memref<819200x128xf32, #tpu.memory_space<hbm>> -> memref<128x128xf32, #tpu.memory_space<hbm>>
    %dma_wait3A_61 = arith.constant 0 : i32
    %dma_wait3A_62 = tpu.memref_slice %arg4[%mul3A_4, %dma_wait3A_61] : memref<819200x128xf32, #tpu.memory_space<hbm>> -> memref<128x128xf32, #tpu.memory_space<hbm>>
    %dma_wait3A_63 = arith.constant 0 : i32
    %dma_wait3A_64 = arith.constant 0 : i32
    %dma_wait3A_65 = tpu.memref_slice %arg7[%dma_wait3A_63, %dma_wait3A_64] : memref<768x128xf32, #tpu.memory_space<vmem>> -> memref<128x128xf32, #tpu.memory_space<vmem>>
    tpu.wait_dma2 semaphore(%arg15 : memref<!tpu.dma_semaphore, #tpu.memory_space<semaphore_mem>>) src(%dma_wait3A_65 : memref<128x128xf32, #tpu.memory_space<vmem>>) dst(%dma_wait3A_62 : memref<128x128xf32, #tpu.memory_space<hbm>>)
    %dma_wait3A_66 = arith.constant 0 : i32
    %dma_wait3A_67 = arith.constant 0 : i32
    %dma_wait3A_68 = tpu.memref_slice %arg6[%dma_wait3A_66, %dma_wait3A_67] : memref<6x128xi32, #tpu.memory_space<vmem>> -> memref<2x128xi32, #tpu.memory_space<vmem>>
    %dma_wait3A_69 = arith.constant 0 : i32
    %dma_wait3A_70 = arith.constant 0 : i32
    %dma_wait3A_71 = tpu.memref_slice %arg3[%dma_wait3A_69, %dma_wait3A_70] : memref<6400x128xi32, #tpu.memory_space<hbm>> -> memref<2x128xi32, #tpu.memory_space<hbm>>
    %dma_wait3A_72 = arith.constant 0 : i32
    %dma_wait3A_73 = arith.constant 0 : i32
    %dma_wait3A_74 = tpu.memref_slice %arg6[%dma_wait3A_72, %dma_wait3A_73] : memref<6x128xi32, #tpu.memory_space<vmem>> -> memref<2x128xi32, #tpu.memory_space<vmem>>
    %dma_wait3A_75 = arith.constant 0 : i32
    %dma_wait3A_76 = arith.constant 0 : i32
    %dma_wait3A_77 = tpu.memref_slice %arg3[%dma_wait3A_75, %dma_wait3A_76] : memref<6400x128xi32, #tpu.memory_space<hbm>> -> memref<2x128xi32, #tpu.memory_space<hbm>>
    tpu.wait_dma2 semaphore(%arg20 : memref<!tpu.dma_semaphore, #tpu.memory_space<semaphore_mem>>) src(%dma_wait3A_77 : memref<2x128xi32, #tpu.memory_space<hbm>>) dst(%dma_wait3A_74 : memref<2x128xi32, #tpu.memory_space<vmem>>)
    %dma_start3A_78 = arith.constant 0 : i32
    %dma_start3A_79 = arith.constant 0 : i32
    %dma_start3A_80 = arith.constant 0 : i32
    %dma_start3A_81 = tpu.memref_slice %arg7[%dma_start3A_79, %dma_start3A_80] : memref<768x128xf32, #tpu.memory_space<vmem>> -> memref<128x128xf32, #tpu.memory_space<vmem>>
    %dma_start3A_82 = arith.constant 0 : i32
    %dma_start3A_83 = tpu.memref_slice %arg6[%dma_start3A_78, %dma_start3A_82] : memref<6x128xi32, #tpu.memory_space<vmem>> -> memref<1x128xi32, #tpu.memory_space<vmem>>
    %dma_start3A_84 = tpu.memref_squeeze %dma_start3A_83 : memref<1x128xi32, #tpu.memory_space<vmem>> -> memref<128xi32, #tpu.memory_space<vmem>>
    %dma_start3A_85 = arith.constant 0 : i32
    %dma_start3A_86 = arith.constant 0 : i32
    %dma_start3A_87 = tpu.memref_slice %arg5[%dma_start3A_85, %dma_start3A_86] : memref<1000x128xf32, #tpu.memory_space<vmem_shared>> -> memref<1000x128xf32, #tpu.memory_space<vmem_shared>>
    tpu.enqueue_indirect_dma source(%dma_start3A_87 : memref<1000x128xf32, #tpu.memory_space<vmem_shared>>) target(%dma_start3A_81 : memref<128x128xf32, #tpu.memory_space<vmem>>) offsets(%dma_start3A_84 : memref<128xi32, #tpu.memory_space<vmem>>) semaphore(%arg8 : memref<!tpu.dma_semaphore, #tpu.memory_space<semaphore_mem>>)
    %dma_start3A_88 = arith.constant 1 : i32
    %dma_start3A_89 = arith.constant 128 : i32
    %dma_start3A_90 = arith.constant 0 : i32
    %dma_start3A_91 = tpu.memref_slice %arg7[%dma_start3A_89, %dma_start3A_90] : memref<768x128xf32, #tpu.memory_space<vmem>> -> memref<128x128xf32, #tpu.memory_space<vmem>>
    %dma_start3A_92 = arith.constant 0 : i32
    %dma_start3A_93 = tpu.memref_slice %arg6[%dma_start3A_88, %dma_start3A_92] : memref<6x128xi32, #tpu.memory_space<vmem>> -> memref<1x128xi32, #tpu.memory_space<vmem>>
    %dma_start3A_94 = tpu.memref_squeeze %dma_start3A_93 : memref<1x128xi32, #tpu.memory_space<vmem>> -> memref<128xi32, #tpu.memory_space<vmem>>
    %dma_start3A_95 = arith.constant 0 : i32
    %dma_start3A_96 = arith.constant 0 : i32
    %dma_start3A_97 = tpu.memref_slice %arg5[%dma_start3A_95, %dma_start3A_96] : memref<1000x128xf32, #tpu.memory_space<vmem_shared>> -> memref<1000x128xf32, #tpu.memory_space<vmem_shared>>
    tpu.enqueue_indirect_dma source(%dma_start3A_97 : memref<1000x128xf32, #tpu.memory_space<vmem_shared>>) target(%dma_start3A_91 : memref<128x128xf32, #tpu.memory_space<vmem>>) offsets(%dma_start3A_94 : memref<128xi32, #tpu.memory_space<vmem>>) semaphore(%arg9 : memref<!tpu.dma_semaphore, #tpu.memory_space<semaphore_mem>>)
    %dma_wait3A_98 = arith.constant 0 : i32
    %dma_wait3A_99 = arith.constant 0 : i32
    %dma_wait3A_100 = arith.constant 0 : i32
    %dma_wait3A_101 = tpu.memref_slice %arg7[%dma_wait3A_99, %dma_wait3A_100] : memref<768x128xf32, #tpu.memory_space<vmem>> -> memref<128x128xf32, #tpu.memory_space<vmem>>
    %dma_wait3A_102 = arith.constant 0 : i32
    %dma_wait3A_103 = tpu.memref_slice %arg6[%dma_wait3A_98, %dma_wait3A_102] : memref<6x128xi32, #tpu.memory_space<vmem>> -> memref<1x128xi32, #tpu.memory_space<vmem>>
    %dma_wait3A_104 = tpu.memref_squeeze %dma_wait3A_103 : memref<1x128xi32, #tpu.memory_space<vmem>> -> memref<128xi32, #tpu.memory_space<vmem>>
    %dma_wait3A_105 = arith.constant 0 : i32
    %dma_wait3A_106 = arith.constant 0 : i32
    %dma_wait3A_107 = tpu.memref_slice %arg5[%dma_wait3A_105, %dma_wait3A_106] : memref<1000x128xf32, #tpu.memory_space<vmem_shared>> -> memref<1000x128xf32, #tpu.memory_space<vmem_shared>>
    tpu.wait_indirect_dma semaphore(%arg8 : memref<!tpu.dma_semaphore, #tpu.memory_space<semaphore_mem>>) src(%dma_wait3A_107 : memref<1000x128xf32, #tpu.memory_space<vmem_shared>>) dst(%dma_wait3A_101 : memref<128x128xf32, #tpu.memory_space<vmem>>)
    %dma_wait3A_108 = arith.constant 1 : i32
    %dma_wait3A_109 = arith.constant 128 : i32
    %dma_wait3A_110 = arith.constant 0 : i32
    %dma_wait3A_111 = tpu.memref_slice %arg7[%dma_wait3A_109, %dma_wait3A_110] : memref<768x128xf32, #tpu.memory_space<vmem>> -> memref<128x128xf32, #tpu.memory_space<vmem>>
    %dma_wait3A_112 = arith.constant 0 : i32
    %dma_wait3A_113 = tpu.memref_slice %arg6[%dma_wait3A_108, %dma_wait3A_112] : memref<6x128xi32, #tpu.memory_space<vmem>> -> memref<1x128xi32, #tpu.memory_space<vmem>>
    %dma_wait3A_114 = tpu.memref_squeeze %dma_wait3A_113 : memref<1x128xi32, #tpu.memory_space<vmem>> -> memref<128xi32, #tpu.memory_space<vmem>>
    %dma_wait3A_115 = arith.constant 0 : i32
    %dma_wait3A_116 = arith.constant 0 : i32
    %dma_wait3A_117 = tpu.memref_slice %arg5[%dma_wait3A_115, %dma_wait3A_116] : memref<1000x128xf32, #tpu.memory_space<vmem_shared>> -> memref<1000x128xf32, #tpu.memory_space<vmem_shared>>
    tpu.wait_indirect_dma semaphore(%arg9 : memref<!tpu.dma_semaphore, #tpu.memory_space<semaphore_mem>>) src(%dma_wait3A_117 : memref<1000x128xf32, #tpu.memory_space<vmem_shared>>) dst(%dma_wait3A_111 : memref<128x128xf32, #tpu.memory_space<vmem>>)
    %add3A_118 = arith.constant 25344 : i32
    %add3A_119 = arith.addi %mul3A_4, %add3A_118 : i32
    %add3A_120 = arith.constant 0 : i32
    %add3A_121 = arith.addi %add3A_119, %add3A_120 : i32
    %dma_start3A_122 = arith.constant 0 : i32
    %dma_start3A_123 = arith.constant 0 : i32
    %dma_start3A_124 = tpu.memref_slice %arg7[%dma_start3A_122, %dma_start3A_123] : memref<768x128xf32, #tpu.memory_space<vmem>> -> memref<128x128xf32, #tpu.memory_space<vmem>>
    %dma_start3A_125 = arith.constant 0 : i32
    %dma_start3A_126 = tpu.memref_slice %arg4[%add3A_121, %dma_start3A_125] : memref<819200x128xf32, #tpu.memory_space<hbm>> -> memref<128x128xf32, #tpu.memory_space<hbm>>
    %dma_start3A_127 = arith.constant 0 : i32
    %dma_start3A_128 = tpu.memref_slice %arg4[%add3A_121, %dma_start3A_127] : memref<819200x128xf32, #tpu.memory_space<hbm>> -> memref<128x128xf32, #tpu.memory_space<hbm>>
    %dma_start3A_129 = arith.constant 0 : i32
    %dma_start3A_130 = arith.constant 0 : i32
    %dma_start3A_131 = tpu.memref_slice %arg7[%dma_start3A_129, %dma_start3A_130] : memref<768x128xf32, #tpu.memory_space<vmem>> -> memref<128x128xf32, #tpu.memory_space<vmem>>
    tpu.enqueue_dma source(%dma_start3A_131 : memref<128x128xf32, #tpu.memory_space<vmem>>) target(%dma_start3A_128 : memref<128x128xf32, #tpu.memory_space<hbm>>) target_semaphore(%arg14 : memref<!tpu.dma_semaphore, #tpu.memory_space<semaphore_mem>>)
    %add3A_132 = arith.constant 25344 : i32
    %add3A_133 = arith.addi %mul3A_4, %add3A_132 : i32
    %add3A_134 = arith.constant 128 : i32
    %add3A_135 = arith.addi %add3A_133, %add3A_134 : i32
    %dma_start3A_136 = arith.constant 128 : i32
    %dma_start3A_137 = arith.constant 0 : i32
    %dma_start3A_138 = tpu.memref_slice %arg7[%dma_start3A_136, %dma_start3A_137] : memref<768x128xf32, #tpu.memory_space<vmem>> -> memref<128x128xf32, #tpu.memory_space<vmem>>
    %dma_start3A_139 = arith.constant 0 : i32
    %dma_start3A_140 = tpu.memref_slice %arg4[%add3A_135, %dma_start3A_139] : memref<819200x128xf32, #tpu.memory_space<hbm>> -> memref<128x128xf32, #tpu.memory_space<hbm>>
    %dma_start3A_141 = arith.constant 0 : i32
    %dma_start3A_142 = tpu.memref_slice %arg4[%add3A_135, %dma_start3A_141] : memref<819200x128xf32, #tpu.memory_space<hbm>> -> memref<128x128xf32, #tpu.memory_space<hbm>>
    %dma_start3A_143 = arith.constant 128 : i32
    %dma_start3A_144 = arith.constant 0 : i32
    %dma_start3A_145 = tpu.memref_slice %arg7[%dma_start3A_143, %dma_start3A_144] : memref<768x128xf32, #tpu.memory_space<vmem>> -> memref<128x128xf32, #tpu.memory_space<vmem>>
    tpu.enqueue_dma source(%dma_start3A_145 : memref<128x128xf32, #tpu.memory_space<vmem>>) target(%dma_start3A_142 : memref<128x128xf32, #tpu.memory_space<hbm>>) target_semaphore(%arg15 : memref<!tpu.dma_semaphore, #tpu.memory_space<semaphore_mem>>)
    %dma_wait3A_146 = arith.constant 0 : i32
    %dma_wait3A_147 = arith.constant 0 : i32
    %dma_wait3A_148 = tpu.memref_slice %arg7[%dma_wait3A_146, %dma_wait3A_147] : memref<768x128xf32, #tpu.memory_space<vmem>> -> memref<128x128xf32, #tpu.memory_space<vmem>>
    %dma_wait3A_149 = arith.constant 0 : i32
    %dma_wait3A_150 = tpu.memref_slice %arg4[%mul3A_4, %dma_wait3A_149] : memref<819200x128xf32, #tpu.memory_space<hbm>> -> memref<128x128xf32, #tpu.memory_space<hbm>>
    %dma_wait3A_151 = arith.constant 0 : i32
    %dma_wait3A_152 = tpu.memref_slice %arg4[%mul3A_4, %dma_wait3A_151] : memref<819200x128xf32, #tpu.memory_space<hbm>> -> memref<128x128xf32, #tpu.memory_space<hbm>>
    %dma_wait3A_153 = arith.constant 0 : i32
    %dma_wait3A_154 = arith.constant 0 : i32
    %dma_wait3A_155 = tpu.memref_slice %arg7[%dma_wait3A_153, %dma_wait3A_154] : memref<768x128xf32, #tpu.memory_space<vmem>> -> memref<128x128xf32, #tpu.memory_space<vmem>>
    tpu.wait_dma2 semaphore(%arg14 : memref<!tpu.dma_semaphore, #tpu.memory_space<semaphore_mem>>) src(%dma_wait3A_155 : memref<128x128xf32, #tpu.memory_space<vmem>>) dst(%dma_wait3A_152 : memref<128x128xf32, #tpu.memory_space<hbm>>)
    %dma_wait3A_156 = arith.constant 0 : i32
    %dma_wait3A_157 = arith.constant 0 : i32
    %dma_wait3A_158 = tpu.memref_slice %arg7[%dma_wait3A_156, %dma_wait3A_157] : memref<768x128xf32, #tpu.memory_space<vmem>> -> memref<128x128xf32, #tpu.memory_space<vmem>>
    %dma_wait3A_159 = arith.constant 0 : i32
    %dma_wait3A_160 = tpu.memref_slice %arg4[%mul3A_4, %dma_wait3A_159] : memref<819200x128xf32, #tpu.memory_space<hbm>> -> memref<128x128xf32, #tpu.memory_space<hbm>>
    %dma_wait3A_161 = arith.constant 0 : i32
    %dma_wait3A_162 = tpu.memref_slice %arg4[%mul3A_4, %dma_wait3A_161] : memref<819200x128xf32, #tpu.memory_space<hbm>> -> memref<128x128xf32, #tpu.memory_space<hbm>>
    %dma_wait3A_163 = arith.constant 0 : i32
    %dma_wait3A_164 = arith.constant 0 : i32
    %dma_wait3A_165 = tpu.memref_slice %arg7[%dma_wait3A_163, %dma_wait3A_164] : memref<768x128xf32, #tpu.memory_space<vmem>> -> memref<128x128xf32, #tpu.memory_space<vmem>>
    tpu.wait_dma2 semaphore(%arg15 : memref<!tpu.dma_semaphore, #tpu.memory_space<semaphore_mem>>) src(%dma_wait3A_165 : memref<128x128xf32, #tpu.memory_space<vmem>>) dst(%dma_wait3A_162 : memref<128x128xf32, #tpu.memory_space<hbm>>)
    %dma_wait3A_166 = arith.constant 256 : i32
    %dma_wait3A_167 = arith.constant 0 : i32
    %dma_wait3A_168 = tpu.memref_slice %arg7[%dma_wait3A_166, %dma_wait3A_167] : memref<768x128xf32, #tpu.memory_space<vmem>> -> memref<128x128xf32, #tpu.memory_space<vmem>>
    %dma_wait3A_169 = arith.constant 0 : i32
    %dma_wait3A_170 = tpu.memref_slice %arg4[%mul3A_4, %dma_wait3A_169] : memref<819200x128xf32, #tpu.memory_space<hbm>> -> memref<128x128xf32, #tpu.memory_space<hbm>>
    %dma_wait3A_171 = arith.constant 0 : i32
    %dma_wait3A_172 = tpu.memref_slice %arg4[%mul3A_4, %dma_wait3A_171] : memref<819200x128xf32, #tpu.memory_space<hbm>> -> memref<128x128xf32, #tpu.memory_space<hbm>>
    %dma_wait3A_173 = arith.constant 256 : i32
    %dma_wait3A_174 = arith.constant 0 : i32
    %dma_wait3A_175 = tpu.memref_slice %arg7[%dma_wait3A_173, %dma_wait3A_174] : memref<768x128xf32, #tpu.memory_space<vmem>> -> memref<128x128xf32, #tpu.memory_space<vmem>>
    tpu.wait_dma2 semaphore(%arg16 : memref<!tpu.dma_semaphore, #tpu.memory_space<semaphore_mem>>) src(%dma_wait3A_175 : memref<128x128xf32, #tpu.memory_space<vmem>>) dst(%dma_wait3A_172 : memref<128x128xf32, #tpu.memory_space<hbm>>)
    %dma_wait3A_176 = arith.constant 256 : i32
    %dma_wait3A_177 = arith.constant 0 : i32
    %dma_wait3A_178 = tpu.memref_slice %arg7[%dma_wait3A_176, %dma_wait3A_177] : memref<768x128xf32, #tpu.memory_space<vmem>> -> memref<128x128xf32, #tpu.memory_space<vmem>>
    %dma_wait3A_179 = arith.constant 0 : i32
    %dma_wait3A_180 = tpu.memref_slice %arg4[%mul3A_4, %dma_wait3A_179] : memref<819200x128xf32, #tpu.memory_space<hbm>> -> memref<128x128xf32, #tpu.memory_space<hbm>>
    %dma_wait3A_181 = arith.constant 0 : i32
    %dma_wait3A_182 = tpu.memref_slice %arg4[%mul3A_4, %dma_wait3A_181] : memref<819200x128xf32, #tpu.memory_space<hbm>> -> memref<128x128xf32, #tpu.memory_space<hbm>>
    %dma_wait3A_183 = arith.constant 256 : i32
    %dma_wait3A_184 = arith.constant 0 : i32
    %dma_wait3A_185 = tpu.memref_slice %arg7[%dma_wait3A_183, %dma_wait3A_184] : memref<768x128xf32, #tpu.memory_space<vmem>> -> memref<128x128xf32, #tpu.memory_space<vmem>>
    tpu.wait_dma2 semaphore(%arg17 : memref<!tpu.dma_semaphore, #tpu.memory_space<semaphore_mem>>) src(%dma_wait3A_185 : memref<128x128xf32, #tpu.memory_space<vmem>>) dst(%dma_wait3A_182 : memref<128x128xf32, #tpu.memory_space<hbm>>)
    %dma_wait3A_186 = arith.constant 512 : i32
    %dma_wait3A_187 = arith.constant 0 : i32
    %dma_wait3A_188 = tpu.memref_slice %arg7[%dma_wait3A_186, %dma_wait3A_187] : memref<768x128xf32, #tpu.memory_space<vmem>> -> memref<128x128xf32, #tpu.memory_space<vmem>>
    %dma_wait3A_189 = arith.constant 0 : i32
    %dma_wait3A_190 = tpu.memref_slice %arg4[%mul3A_4, %dma_wait3A_189] : memref<819200x128xf32, #tpu.memory_space<hbm>> -> memref<128x128xf32, #tpu.memory_space<hbm>>
    %dma_wait3A_191 = arith.constant 0 : i32
    %dma_wait3A_192 = tpu.memref_slice %arg4[%mul3A_4, %dma_wait3A_191] : memref<819200x128xf32, #tpu.memory_space<hbm>> -> memref<128x128xf32, #tpu.memory_space<hbm>>
    %dma_wait3A_193 = arith.constant 512 : i32
    %dma_wait3A_194 = arith.constant 0 : i32
    %dma_wait3A_195 = tpu.memref_slice %arg7[%dma_wait3A_193, %dma_wait3A_194] : memref<768x128xf32, #tpu.memory_space<vmem>> -> memref<128x128xf32, #tpu.memory_space<vmem>>
    tpu.wait_dma2 semaphore(%arg18 : memref<!tpu.dma_semaphore, #tpu.memory_space<semaphore_mem>>) src(%dma_wait3A_195 : memref<128x128xf32, #tpu.memory_space<vmem>>) dst(%dma_wait3A_192 : memref<128x128xf32, #tpu.memory_space<hbm>>)
    %dma_wait3A_196 = arith.constant 512 : i32
    %dma_wait3A_197 = arith.constant 0 : i32
    %dma_wait3A_198 = tpu.memref_slice %arg7[%dma_wait3A_196, %dma_wait3A_197] : memref<768x128xf32, #tpu.memory_space<vmem>> -> memref<128x128xf32, #tpu.memory_space<vmem>>
    %dma_wait3A_199 = arith.constant 0 : i32
    %dma_wait3A_200 = tpu.memref_slice %arg4[%mul3A_4, %dma_wait3A_199] : memref<819200x128xf32, #tpu.memory_space<hbm>> -> memref<128x128xf32, #tpu.memory_space<hbm>>
    %dma_wait3A_201 = arith.constant 0 : i32
    %dma_wait3A_202 = tpu.memref_slice %arg4[%mul3A_4, %dma_wait3A_201] : memref<819200x128xf32, #tpu.memory_space<hbm>> -> memref<128x128xf32, #tpu.memory_space<hbm>>
    %dma_wait3A_203 = arith.constant 512 : i32
    %dma_wait3A_204 = arith.constant 0 : i32
    %dma_wait3A_205 = tpu.memref_slice %arg7[%dma_wait3A_203, %dma_wait3A_204] : memref<768x128xf32, #tpu.memory_space<vmem>> -> memref<128x128xf32, #tpu.memory_space<vmem>>
    tpu.wait_dma2 semaphore(%arg19 : memref<!tpu.dma_semaphore, #tpu.memory_space<semaphore_mem>>) src(%dma_wait3A_205 : memref<128x128xf32, #tpu.memory_space<vmem>>) dst(%dma_wait3A_202 : memref<128x128xf32, #tpu.memory_space<hbm>>)
    return
  }
}

</mosaic_0001>

<sc_bundles>
// kernel: kernel.3.cloned.1.call-start
scs
__scs_entry_jumppad:
0x0: {  	(pc) =	sbr.rel $0x88, $3  }
0x1: {  	(tag) =	ssettag $0x0;
	lr =	simm.s32 $0x1  }
0x2: {  	[smem:$0x3F9F] =	sst lr;
	_ =	strace $0xD0000000  }
0x3: {  	_ = 	snop  }
0x4: {  	_ = 	snop  }
0x5: {  	_ = 	snop  }
0x6: {  	_ = 	snop  }
0x7: {  	_ = 	snop  }
__scs_overlays_trampoline_lowered:
0x8: {  	[smem:$0x3FAE] =	sst s0  }
0x9: {  	[smem:$0x3FAF] =	sst s1  }
0xa: {  	[smem:$0x3FB0] =	sst s2  }
0xb: {  	[smem:$0x3FB1] =	sst s3  }
0xc: {  	[smem:$0x3FB2] =	sst s4  }
0xd: {  	[smem:$0x3FB3] =	sst s5  }
0xe: {  	[smem:$0x3FB4] =	sst s6  }
0xf: {  	[smem:$0x3FB5] =	sst s7  }
0x10: {  	[smem:$0x3FB6] =	sst s8  }
0x11: {  	[smem:$0x3FB7] =	sst s9;
	s0 =	simm.s32 @!p0 $0x0  }
0x12: {  	s1 =	sld [smem:$0x3F9D];
	s0 =	simm.s32 @p0 $0x1  }
0x13: {  	[smem:$0x3FB8] =	sst s0;
	s0 =	simm.s32 @!p1 $0x0  }
0x14: {  	s2 =	sld [smem:$0x3F9C];
	s0 =	simm.s32 @p1 $0x1  }
0x15: {  	[smem:$0x3FB9] =	sst s0;
	s0 =	simm.s32 @!p2 $0x0  }
0x16: {  	s3 =	sld [smem:$0x3FDB];
	s0 =	simm.s32 @p2 $0x1  }
0x17: {  	s4 =	simm.s32 $0x1BF5;
	[smem:$0x3FBB] =	sst s0  }
0x18: {  	s0 =	sld [smem:$0x3F9E];
	_ =	swait.ge [sflag:s4], $0x0  }
0x19: {  	s7 =	sld [smem:$0x3F9F]  }
0x1a: {  	s8 =	sadd.s32 $0xFFFFE003, lr  }
0x1b: {  	s9 =	sadd.s32 $0xFFFFFEF7, lr;
	s5 =	simm.s32 $0xFFFFFFFF;
	p2 =	slt.u32 s8, $0xFFFFF086  }
0x1c: {  	p1 =	slt.u32 s9, $0xF7A;
	s5 =	simm.s32 @!p2 $0x0  }
0x1d: {  	s5 =	simm.s32 @p1 $0x1;
	p0 =	seq.s32 s7, s2  }
0x1e: {  	s7 =	smul.u32 @!p0 $0xF7A, s2;
	p2 =	seq.s32 @!p0 s5, $0x0  }
0x1f: {  	s9 =	smul.u32 $0xF7A, s1;
	s8 =	simm.s32 @!p0 $0x1BF5;
	p2 =	por !p2, p0  }
0x20: {  	[sflag:s8] =	ssyncset.s32 @!p0 $0xFFFFF086;
	s6 =	sadd.s32 @!p0 s3, s7;
	s7 =	simm.s32 @!p0 $0x108  }
0x21: {  	s3 =	sadd.s32 s3, s9;
	s6 =	sadd.s32 @!p0 $0x88, s6;
	s7 =	simm.s32 @p2 $0x1082  }
0x22: {  	[simem:s7], [sflag:s8] =	dma.local @!p0 [hbm:s6], $0xF7A  }
0x23: {  	s9 =	sor.u32 $0xD0000000, s2;
	s6 =	simm.s32 $0x108;
	_ =	swait.ge @!p0 [sflag:s8], $0x0  }
0x24: {  	s3 =	sadd.s32 $0x88, s3;
	s6 =	simm.s32 @!p1 $0x1082;
	[sflag:s4] =	ssyncset.s32 $0xFFFFF086  }
0x25: {  	[simem:s6], [sflag:s4] =	dma.local [hbm:s3], $0xF7A  }
0x26: {  	[smem:$0x3F9F] =	sst s1;
	(tag) =	ssettag s2;
	_ =	strace s9  }
0x27: {  	s1 =	sld [smem:$0x3FAF]  }
0x28: {  	s2 =	sld [smem:$0x3FB0]  }
0x29: {  	s4 =	sld [smem:$0x3FB2]  }
0x2a: {  	p0 =	seq.s32 s5, $0x0;
	s5 =	sld [smem:$0x3FB3]  }
0x2b: {  	s6 =	sld [smem:$0x3FB4]  }
0x2c: {  	s7 =	sld [smem:$0x3FB5]  }
0x2d: {  	s3 =	simm.s32 $0x108;
	s8 =	sld [smem:$0x3FB6]  }
0x2e: {  	s3 =	simm.s32 @!p0 $0x1082;
	s9 =	sld [smem:$0x3FB7]  }
0x2f: {  	lr =	sadd.s32 s0, s3;
	s0 =	sld [smem:$0x3FAE]  }
0x30: {  	s3 =	sld [smem:$0x3FB1]  }
0x31: {  	[smem:$0x3FBA] =	sst s10  }
0x32: {  	s10 =	sld [smem:$0x3FB8];
	_ =	sdelay $0x3  }
0x33: {  	p0 =	seq.s32 s10, $0x1;
	s10 =	sld [smem:$0x3FBA];
	_ =	sdelay $0x3  }
0x34: {  	[smem:$0x3FBA] =	sst s10  }
0x35: {  	s10 =	sld [smem:$0x3FB9];
	_ =	sdelay $0x3  }
0x36: {  	p1 =	seq.s32 s10, $0x1;
	s10 =	sld [smem:$0x3FBA];
	_ =	sdelay $0x3  }
0x37: {  	[smem:$0x3FBA] =	sst s10  }
0x38: {  	s10 =	sld [smem:$0x3FBB]  }
0x39: {  	_ = 	snop;
	(pc) =	sbr.ind lr, $3  }
0x3a: {  	_ = 	snop  }
0x3b: {  	_ = 	snop  }
0x3c: {  	p2 =	seq.s32 s10, $0x1;
	s10 =	sld [smem:$0x3FBA]  }
0x3d: {  	_ =	shalt  }
0x3e: {  	_ =	shalt  }
0x3f: {  	_ =	shalt  }
0x40: {  	_ =	shalt  }
0x41: {  	_ =	shalt  }
0x42: {  	_ =	shalt  }
0x43: {  	_ =	shalt  }
0x44: {  	_ =	shalt  }
0x45: {  	_ =	shalt  }
0x46: {  	_ =	shalt  }
0x47: {  	_ =	shalt  }
0x48: {  	_ =	shalt  }
0x49: {  	_ =	shalt  }
0x4a: {  	_ =	shalt  }
0x4b: {  	_ =	shalt  }
0x4c: {  	_ =	shalt  }
0x4d: {  	_ =	shalt  }
0x4e: {  	_ =	shalt  }
0x4f: {  	_ =	shalt  }
0x50: {  	_ =	shalt  }
0x51: {  	_ =	shalt  }
0x52: {  	_ =	shalt  }
0x53: {  	_ =	shalt  }
0x54: {  	_ =	shalt  }
0x55: {  	_ =	shalt  }
0x56: {  	_ =	shalt  }
0x57: {  	_ =	shalt  }
0x58: {  	_ =	shalt  }
0x59: {  	_ =	shalt  }
0x5a: {  	_ =	shalt  }
0x5b: {  	_ =	shalt  }
0x5c: {  	_ =	shalt  }
0x5d: {  	_ =	shalt  }
0x5e: {  	_ =	shalt  }
0x5f: {  	_ =	shalt  }
0x60: {  	_ =	shalt  }
0x61: {  	_ =	shalt  }
0x62: {  	_ =	shalt  }
0x63: {  	_ =	shalt  }
0x64: {  	_ =	shalt  }
0x65: {  	_ =	shalt  }
0x66: {  	_ =	shalt  }
0x67: {  	_ =	shalt  }
0x68: {  	_ =	shalt  }
0x69: {  	_ =	shalt  }
0x6a: {  	_ =	shalt  }
0x6b: {  	_ =	shalt  }
0x6c: {  	_ =	shalt  }
0x6d: {  	_ =	shalt  }
0x6e: {  	_ =	shalt  }
0x6f: {  	_ =	shalt  }
0x70: {  	_ =	shalt  }
0x71: {  	_ =	shalt  }
0x72: {  	_ =	shalt  }
0x73: {  	_ =	shalt  }
0x74: {  	_ =	shalt  }
0x75: {  	_ =	shalt  }
0x76: {  	_ =	shalt  }
0x77: {  	_ =	shalt  }
0x78: {  	_ =	shalt  }
0x79: {  	_ =	shalt  }
0x7a: {  	_ =	shalt  }
0x7b: {  	_ =	shalt  }
0x7c: {  	_ =	shalt  }
0x7d: {  	_ =	shalt  }
0x7e: {  	_ =	shalt  }
0x7f: {  	_ =	shalt  }
0x80: {  	_ =	shalt  }
0x81: {  	_ =	shalt  }
0x82: {  	_ =	shalt  }
0x83: {  	_ =	shalt  }
0x84: {  	_ =	shalt  }
0x85: {  	_ =	shalt  }
0x86: {  	_ =	shalt  }
0x87: {  	_ =	shalt  }
.Lfunc_end0:
.L_simem_size_0:
called_computation_lowered:
.L_overlay_start_0:
0x88: {  	s2 =	sld [smem:$0x3FD9]  }
0x89: {  	s3 =	sld [smem:$0x3FFE];
	_ =	sdelay $0x1  }
0x8a: {  	s1 =	srdreg.scid  }
0x8b: {  	s0 =	sand.u32 $0x1, s1  }
0x8c: {  	s17 =	sshll.u32 s0, $0xA;
	s2 =	sadd.s32 s3, s2  }
0x8d: {  	s2 =	sadd.s32 s2, s17  }
0x8e: {  	[smem:$0x3FC6] =	sst s2  }
0x8f: {  	_ = 	snop  }
0x90: {  	s2 =	sld [smem:$0x3FC8]  }
0x91: {  	s18 =	sld [smem:$0x3FD0];
	(tm) =	ssettm $0x1  }
0x92: {  	s4 =	sld [smem:$0x3FFB];
	_ =	sdelay $0x3  }
0x93: {  	_ =	strace s4  }
0x94: {  	s4 =	sld [smem:$0x3FFC];
	_ =	sdelay $0x3  }
0x95: {  	_ =	strace s4  }
0x96: {  	s4 =	sld [smem:$0x3FFD];
	_ =	sdelay $0x3  }
0x97: {  	_ =	strace s4  }
0x98: {  	_ =	strace $0x8FFFFFFF  }
0x99: {  	s19 =	sld [smem:$0x3FDB];
	_ =	sdelay $0x1  }
0x9a: {  	s5 =	simm.s32 $_scs_section_size  }
0x9b: {  	s6 =	simm.s32 $_size__tile_overlayer_lowered;
	s7 =	simm.s32 $_tile_overlayer_lowered  }
0x9c: {  	s22 =	simm.s32 $0x1BFF;
	s21 =	sshll.u32 s7, $0x1;
	s4 =	sadd.s32 s5, s19  }
0x9d: {  	s8 =	simm.s32 $0x0;
	s20 =	sshll.u32 s6, $0x1;
	s6 =	sadd.s32 s21, s4  }
0x9e: {  	[timem:s8], [sflag:s22] =	dma.local [hbm:s6], s20  }
0x9f: {  	_ =	swait.ge [sflag:s22], s20  }
0xa0: {  	s5 =	ssub.s32 $0x0, s20;
	[sflag:s22] =	ssyncset.done $0x0  }
0xa1: {  	[sflag:s22] =	ssyncadd.s32 s5;
	_ =	sdelay $0x1  }
0xa2: {  	s23 =	simm.s32 $0x1B8B  }
0xa3: {  	_ =	swait.ge [sflag:s23], $0x1  }
0xa4: {  	[sflag:s23] =	ssyncset.done $0x0  }
0xa5: {  	s25 =	simm.s32 $0x1B8E;
	s24 =	sld [smem:$0x3FFE];
	[sflag:s23] =	ssyncadd.s32 $0xFFFFFFFF  }
0xa6: {  	s26 =	simm.s32 $execute0_lowered;
	[smem:$0x3FD2] =	sst s25  }
0xa7: {  	s6 =	sshll.u32 s26, $0x1;
	_ =	strace $0x80000046;
	[dreg:$0x1] =	wrdreg $0xFFFFFFFF  }
0xa8: {  	s28 =	simm.s32 $_size_execute0_lowered;
	s4 =	sadd.s32 s4, s6;
	[dreg:$0x0] =	wrdreg $0x0  }
0xa9: {  	s6 =	sshll.u32 s28, $0x1;
	[dreg:$0x2] =	wrdreg s4  }
0xaa: {  	[dreg:$0x3] =	wrdreg s6  }
0xab: {  	[dreg:$0x4] =	wrdreg $0xC0  }
0xac: {  	_ =	task [dreg:s8], $0x5FFFF  }
0xad: {  	[dreg:$0x1] =	wrdreg $0xFFFFFFFF  }
0xae: {  	[dreg:$0x0] =	wrdreg $0x60  }
0xaf: {  	[dreg:$0x2] =	wrdreg s2  }
0xb0: {  	[dreg:$0x3] =	wrdreg s24  }
0xb1: {  	[dreg:$0x4] =	wrdreg s18  }
0xb2: {  	[dreg:$0x5] =	wrdreg $0x0  }
0xb3: {  	[dreg:$0x6] =	wrdreg $0x9  }
0xb4: {  	_ =	task.clear_ibuf [dreg:s8], $0x7FFFF;
	_ =	strace $0x90000046  }
0xb5: {  	s29 =	simm.s32 $0x9;
	_ =	strace $0x80000048  }
0xb6: {  	_ =	swait.ge [sflag:s29], $0x1  }
0xb7: {  	[sflag:s29] =	ssyncadd.s32 $0xFFFFFFFF  }
0xb8: {  	_ =	strace $0x90000048  }
0xb9: {  	_ =	sfence  }
0xba: {  	s30 =	sld [smem:$0x0];
	_ =	sdelay $0x2  }
0xbb: {  	s31 =	sshll.u32 s1, $0xD;
	s1 =	sshrl.u32 s1, $0x2  }
0xbc: {  	s3 =	sand.u32 $0x4000, s31;
	s1 =	sadd.s32 s1, s30  }
0xbd: {  	s0 =	sor.u32 s3, s0;
	s1 =	sshll.u32 s1, $0x11  }
0xbe: {  	s0 =	sor.u32 s1, s0  }
0xbf: {  	s0 =	sadd.s32 $0x8F2B, s0  }
0xc0: {  	[sflag:s0] =	ssyncadd.remote.s32 $0x1  }
0xc1: {  	_ =	sfence.sel $0xFFFF  }
0xc2: {  	[dreg:$0x0] =	wrdreg $0xFFFFFFFF;
	(pc) =	sbr.abs _section_cstart, $3  }
0xc3: {  	[dreg:$0x1] =	wrdreg $0xFFFFFFFF  }
0xc4: {  	_ =	task.clear_ibuf [dreg:s8], $0x2FFFF;
	_ =	strace $0x9FFFFFFF  }
0xc5: {  	(tm) =	ssettm $0x7FFFFFFF  }
tec
execute0_lowered:
.L_overlay_start_1:
0x0: {  	(tag) =	ssettag $0x1  }
0x1: {  	s0 =	rddreg [dreg:$0x1]  }
0x2: {  	s10 =	rddreg [dreg:$0x2];
	s1 =	srdreg.scid  }
0x3: {  	s2 =	stileid.u32;
	s3 =	rddreg [dreg:$0x3]  }
0x4: {  	s4 =	simm.s32 $0x0;
	s17 =	simm.s32 $0x1F40;
	s19 =	simm.s32 $0x2140  }
0x5: {  	s20 =	simm.s32 $0xE;
	s29 =	simm.s32 $0x16340;
	s30 =	simm.s32 $0x1  }
0x6: {  	s31 =	simm.s32 $0x2;
	s12 =	simm.s32 $0x0;
	s9 =	smul.u32 $0xC800, s2  }
0x7: {  	s1 =	sand.u32 $0x1, s1;
	s5 =	sshll.u32 s2, $0x1;
	s25 =	smul.u32 $0xC8000, s2  }
0x8: {  	[smem:$0x7FF] =	sst s4;
	p0 =	sne.s32 s2, $0x0;
	s23 =	smul.u32 $0x6400, s1  }
0x9: {  	s5 =	sor.u32 s1, s5;
	s7 =	ssub.s32 $0x2, s1;
	s1 =	smul.u32 $0x64000, s1  }
0xa: {  	s2 =	simm.s32 $0x2340;
	_ =	strace $0x80000047;
	s6 =	smul.u32 $0xC80, s5  }
0xb: {  	s8 =	smul.u32 $0x320000, s5;
	s5 =	sadd.s32 $0x400, s0;
	s21 =	sshrl.u32 s7, $0x1  }
0xc: {  	s0 =	ssub.s32 s7, s21;
	s9 =	sadd.s32 s23, s9;
	s14 =	sadd.s32 s1, s25  }
0xd: {  	s21 =	simm.s32 $0x80;
	s25 =	simm.s32 $0xF;
	s1 =	simm.s32 $0x3  }
0xe: {  	s22 =	sadd.s32 s5, s6;
	s24 =	sshrl.u32 s8, $0x3;
	s28 =	sshll.u32 s9, $0x4  }
0xf: {  	s0 =	smax.u32 s0, $0x1;
	s8 =	simm.s32 $0x5;
	[dreg:$0x5] =	wrdreg s22  }
0x10: {  	s11 =	sadd.s32 $0x20, s22;
	s7 =	sadd.s32 $0x40, s22;
	[dreg:$0xa] =	wrdreg s0  }
0x11: {  	s13 =	sor.u32 $0x2800, s28;
	s15 =	sor.u32 $0x1800, s28;
	[dreg:$0x6] =	wrdreg s11  }
.Ltmp0:
0x12: {  	s0 =	sshrl.u32 @!p0 s3, $0x3;
	[dreg:$0x7] =	wrdreg s7;
	(pc) =	sbr.rel .LBB2_1-.Ltmp0, $4  }
0x13: {  	s22 =	simm.s32 $0xA340;
	s7 =	sadd.s32 s10, s24;
	[dreg:$0xb] =	wrdreg s0  }
0x14: {  	s24 =	simm.s32 $0xE340;
	s0 =	simm.s32 $0x6340;
	s26 =	sadd.s32 $0x63000, s7  }
0x15: {  	s10 =	simm.s32 $0x6;
	s7 =	sadd.s32 $0x63800, s7;
	[dreg:$0x8] =	wrdreg s26  }
0x16: {  	[dreg:$0x9] =	wrdreg s7;
	s26 =	simm.s32 $0x12340;
	s7 =	simm.s32 $0x4  }
.LBB2_4:
0x17: {  	s11 =	simm.s32 $0x7  }
0x18: {  	_ =	swait.ge [sflag:s11], $0x4000  }
0x19: {  	[sflag:s11] =	ssyncset.done $0x0  }
0x1a: {  	s12 =	simm.s32 $0x8;
	[sflag:s11] =	ssyncadd.s32 $0xFFFFC000  }
0x1b: {  	_ =	swait.ge [sflag:s12], $0x4000  }
0x1c: {  	[sflag:s12] =	ssyncset.done $0x0  }
0x1d: {  	s6 =	simm.s32 $0xD;
	[sflag:s12] =	ssyncadd.s32 $0xFFFFC000  }
0x1e: {  	_ =	swait.ge [sflag:s6], $0x100  }
0x1f: {  	[sflag:s6] =	ssyncset.done $0x0  }
0x20: {  	[sflag:s6] =	ssyncadd.s32 $0xFFFFFF00  }
0x21: {  	[tilespmem:s2], [sflag:$0x1] =	stream.indirect.gather [spmem:s3], $0x80, s17, s21, $0xb8;
	[tilespmem:$0x1A340] =	vst v63  }
0x22: {  	s18 =	simm.s32 $0x1FC0  }
0x23: {  	[tilespmem:s0], [sflag:$0x2] =	stream.indirect.gather [spmem:s3], $0x80, s18, s21, $0xb8;
	[tilespmem:$0x1A340] =	vst v63  }
0x24: {  	_ =	swait.ge [sflag:s30], $0x4000  }
0x25: {  	[sflag:s30] =	ssyncset.done $0x0  }
0x26: {  	[sflag:s30] =	ssyncadd.s32 $0xFFFFC000  }
0x27: {  	_ =	swait.ge [sflag:s31], $0x4000  }
0x28: {  	[sflag:s31] =	ssyncset.done $0x0  }
0x29: {  	s23 =	rddreg [dreg:$0x8];
	[sflag:s31] =	ssyncadd.s32 $0xFFFFC000  }
0x2a: {  	[hbm4b:s23+s4] =	stream.linear.scatter [tilespmem:s2], [sflag:$0x7], $0x4000, $0x38;
	[tilespmem:$0x1A340] =	vst v63  }
0x2b: {  	s28 =	rddreg [dreg:$0x9]  }
0x2c: {  	[hbm4b:s28+s4] =	stream.linear.scatter [tilespmem:s0], [sflag:$0x8], $0x4000, $0x38;
	[tilespmem:$0x1A340] =	vst v63  }
0x2d: {  	_ =	swait.ge [sflag:s11], $0x4000  }
0x2e: {  	[sflag:s11] =	ssyncset.done $0x0  }
0x2f: {  	[sflag:s11] =	ssyncadd.s32 $0xFFFFC000  }
0x30: {  	_ =	swait.ge [sflag:s12], $0x4000  }
0x31: {  	[sflag:s12] =	ssyncset.done $0x0  }
0x32: {  	s11 =	simm.s32 $0x9;
	[sflag:s12] =	ssyncadd.s32 $0xFFFFC000  }
0x33: {  	_ =	swait.ge [sflag:s11], $0x4000  }
0x34: {  	[sflag:s11] =	ssyncset.done $0x0  }
0x35: {  	s12 =	simm.s32 $0xA;
	[sflag:s11] =	ssyncadd.s32 $0xFFFFC000  }
0x36: {  	_ =	swait.ge [sflag:s12], $0x4000  }
0x37: {  	[sflag:s12] =	ssyncset.done $0x0  }
0x38: {  	s16 =	simm.s32 $0xB;
	[sflag:s12] =	ssyncadd.s32 $0xFFFFC000  }
0x39: {  	_ =	swait.ge [sflag:s16], $0x4000  }
0x3a: {  	[sflag:s16] =	ssyncset.done $0x0  }
0x3b: {  	s18 =	simm.s32 $0xC;
	[sflag:s16] =	ssyncadd.s32 $0xFFFFC000  }
0x3c: {  	_ =	swait.ge [sflag:s18], $0x4000  }
0x3d: {  	s23 =	rddreg [dreg:$0xc]  }
0x3e: {  	s28 =	rddreg [dreg:$0xa];
	s12 =	sadd.s32 $0x1, s23  }
0x3f: {  	p1 =	sne.s32 s12, s28  }
.Ltmp1:
0x40: {  	_ = 	snop;
	(pc) =	sbr.rel @!p1 .LBB2_5-.Ltmp1, $3  }
0x41: {  	_ =	sdelay $0x1  }
0x42: {  	[sflag:s18] =	ssyncset.done $0x0  }
0x43: {  	[sflag:s18] =	ssyncadd.s32 $0xFFFFC000  }
.LBB2_1:
0x44: {  	[dreg:$0xc] =	wrdreg s12  }
0x45: {  	s11 =	rddreg [dreg:$0x0]  }
0x46: {  	s6 =	simm.s32 @!p0 $0x1C10;
	s12 =	rddreg [dreg:$0xb]  }
0x47: {  	[spmem:s12], [sflag:s6] =	dma.local @!p0 [hbm:s11], $0x3E80  }
0x48: {  	s6 =	simm.s32 @!p0 $0x10  }
0x49: {  	_ =	swait.ge @!p0 [sflag:s6], $0x3E80  }
0x4a: {  	[sflag:s6] =	ssyncset.done @!p0 $0x0  }
0x4b: {  	s16 =	rddreg [dreg:$0x5];
	[sflag:s6] =	ssyncadd.s32 @!p0 $0xFFFFC180  }
0x4c: {  	[tilespmem:s17], [sflag:$0xD] =	stream.linear.gather [hbm4b:s16+s4], $0x100, $0x38;
	[tilespmem:$0x1A340] =	vst v63  }
0x4d: {  	s23 =	simm.s32 $0x2040;
	s18 =	rddreg [dreg:$0x6]  }
0x4e: {  	[tilespmem:s23], [sflag:$0xE] =	stream.linear.gather [hbm4b:s18+s4], $0x100, $0x38;
	[tilespmem:$0x1A340] =	vst v63  }
0x4f: {  	s28 =	rddreg [dreg:$0x7]  }
0x50: {  	[tilespmem:s19], [sflag:$0xF] =	stream.linear.gather [hbm4b:s28+s4], $0x100, $0x38;
	[tilespmem:$0x1A340] =	vst v63  }
0x51: {  	[bflag:$0x0] =	sbarrier.arrive $0xFFFF  }
0x52: {  	s12 =	simm.s32 $0x0;
	s6 =	rddreg [dreg:$0x2]  }
.LBB2_2:
0x53: {  	p1 =	seq.s32 s12, $0x0  }
0x54: {  	s11 =	simm.s32 @p1 $0xD  }
0x55: {  	_ =	swait.ge @p1 [sflag:s11], $0x100  }
0x56: {  	s16 =	simm.s32 @p1 $0x1F40;
	[sflag:s11] =	ssyncset.done @p1 $0x0  }
0x57: {  	s23 =	simm.s32 @p1 $0x2340;
	[sflag:s11] =	ssyncadd.s32 @p1 $0xFFFFFF00;
	s11 =	simm.s32 @p1 $0x80  }
0x58: {  	[tilespmem:s23], [sflag:$0x1] =	stream.indirect.gather @p1 [spmem:s3], $0x80, s16, s11, $0xb8;
	[tilespmem:$0x1A340] =	vst v63  }
0x59: {  	s16 =	simm.s32 @p1 $0x1FC0;
	s23 =	simm.s32 @p1 $0x6340  }
0x5a: {  	[tilespmem:s23], [sflag:$0x2] =	stream.indirect.gather @p1 [spmem:s3], $0x80, s16, s11, $0xb8;
	[tilespmem:$0x1A340] =	vst v63  }
0x5b: {  	s11 =	simm.s32 @!p1 $0x7  }
0x5c: {  	_ =	swait.ge @!p1 [sflag:s11], $0x4000  }
0x5d: {  	[sflag:s11] =	ssyncset.done @!p1 $0x0  }
0x5e: {  	[sflag:s11] =	ssyncadd.s32 @!p1 $0xFFFFC000;
	s11 =	simm.s32 @!p1 $0x8  }
0x5f: {  	_ =	swait.ge @!p1 [sflag:s11], $0x4000  }
0x60: {  	[sflag:s11] =	ssyncset.done @!p1 $0x0  }
0x61: {  	[sflag:s11] =	ssyncadd.s32 @!p1 $0xFFFFC000;
	s11 =	simm.s32 @!p1 $0xD  }
0x62: {  	_ =	swait.ge @!p1 [sflag:s11], $0x100  }
0x63: {  	s16 =	simm.s32 @!p1 $0x1F40;
	[sflag:s11] =	ssyncset.done @!p1 $0x0  }
0x64: {  	s23 =	simm.s32 @!p1 $0x2340;
	[sflag:s11] =	ssyncadd.s32 @!p1 $0xFFFFFF00;
	s11 =	simm.s32 @!p1 $0x80  }
0x65: {  	[tilespmem:s23], [sflag:$0x1] =	stream.indirect.gather @!p1 [spmem:s3], $0x80, s16, s11, $0xb8;
	[tilespmem:$0x1A340] =	vst v63  }
0x66: {  	s16 =	simm.s32 @!p1 $0x1FC0;
	s23 =	simm.s32 @!p1 $0x6340  }
0x67: {  	[tilespmem:s23], [sflag:$0x2] =	stream.indirect.gather @!p1 [spmem:s3], $0x80, s16, s11, $0xb8;
	[tilespmem:$0x1A340] =	vst v63  }
0x68: {  	s11 =	simm.s32 @!p1 $0x9  }
0x69: {  	_ =	swait.ge @!p1 [sflag:s11], $0x4000  }
0x6a: {  	[sflag:s11] =	ssyncset.done @!p1 $0x0  }
0x6b: {  	[sflag:s11] =	ssyncadd.s32 @!p1 $0xFFFFC000;
	s11 =	simm.s32 @!p1 $0xA  }
0x6c: {  	_ =	swait.ge @!p1 [sflag:s11], $0x4000  }
0x6d: {  	[sflag:s11] =	ssyncset.done @!p1 $0x0  }
0x6e: {  	[sflag:s11] =	ssyncadd.s32 @!p1 $0xFFFFC000  }
0x6f: {  	_ =	swait.ge [sflag:s20], $0x100  }
0x70: {  	[sflag:s20] =	ssyncset.done $0x0  }
0x71: {  	s16 =	simm.s32 $0x2040;
	[sflag:s20] =	ssyncadd.s32 $0xFFFFFF00  }
0x72: {  	[tilespmem:s22], [sflag:$0x3] =	stream.indirect.gather [spmem:s3], $0x80, s16, s21, $0xb8;
	[tilespmem:$0x1A340] =	vst v63  }
0x73: {  	s18 =	simm.s32 $0x20C0;
	s11 =	simm.s32 @!p1 $0xB  }
0x74: {  	[tilespmem:s24], [sflag:$0x4] =	stream.indirect.gather [spmem:s3], $0x80, s18, s21, $0xb8;
	[tilespmem:$0x1A340] =	vst v63  }
0x75: {  	_ =	swait.ge @!p1 [sflag:s11], $0x4000  }
0x76: {  	[sflag:s11] =	ssyncset.done @!p1 $0x0  }
0x77: {  	[sflag:s11] =	ssyncadd.s32 @!p1 $0xFFFFC000;
	s11 =	simm.s32 @!p1 $0xC  }
0x78: {  	_ =	swait.ge @!p1 [sflag:s11], $0x4000  }
0x79: {  	[sflag:s11] =	ssyncset.done @!p1 $0x0  }
0x7a: {  	[sflag:s11] =	ssyncadd.s32 @!p1 $0xFFFFC000  }
0x7b: {  	_ =	swait.ge [sflag:s25], $0x100  }
0x7c: {  	[sflag:s25] =	ssyncset.done $0x0  }
0x7d: {  	[sflag:s25] =	ssyncadd.s32 $0xFFFFFF00  }
0x7e: {  	[tilespmem:s26], [sflag:$0x5] =	stream.indirect.gather [spmem:s3], $0x80, s19, s21, $0xb8;
	[tilespmem:$0x1A340] =	vst v63  }
0x7f: {  	s23 =	simm.s32 $0x21C0  }
0x80: {  	[tilespmem:s29], [sflag:$0x6] =	stream.indirect.gather [spmem:s3], $0x80, s23, s21, $0xb8;
	[tilespmem:$0x1A340] =	vst v63  }
0x81: {  	_ =	swait.ge [sflag:s30], $0x4000  }
0x82: {  	[sflag:s30] =	ssyncset.done $0x0  }
0x83: {  	s11 =	sadd.s32 $0x300, s12;
	[sflag:s30] =	ssyncadd.s32 $0xFFFFC000  }
0x84: {  	s18 =	sadd.s32 s9, s11;
	_ =	swait.ge [sflag:s31], $0x4000  }
0x85: {  	s23 =	sand.u32 $0x1FFC00, s18;
	s18 =	sand.u32 $0x300, s11;
	[sflag:s31] =	ssyncset.done $0x0  }
0x86: {  	s16 =	sadd.s32 s6, s14;
	s18 =	sor.u32 s18, s23;
	[sflag:s31] =	ssyncadd.s32 $0xFFFFC000  }
0x87: {  	[hbm4b:s16+s4] =	stream.linear.scatter [tilespmem:s2], [sflag:$0x7], $0x4000, $0x38;
	[tilespmem:$0x1A340] =	vst v63  }
0x88: {  	s28 =	sadd.s32 $0x800, s16;
	s18 =	sshrl.u32 s18, $0x3  }
0x89: {  	[hbm4b:s28+s4] =	stream.linear.scatter [tilespmem:s0], [sflag:$0x8], $0x4000, $0x38;
	[tilespmem:$0x1A340] =	vst v63  }
0x8a: {  	s18 =	sadd.s32 s5, s18  }
0x8b: {  	[tilespmem:s17], [sflag:$0xD] =	stream.linear.gather [hbm4b:s18+s4], $0x100, $0x38;
	[tilespmem:$0x1A340] =	vst v63  }
0x8c: {  	_ =	swait.ge [sflag:s1], $0x4000  }
0x8d: {  	[sflag:s1] =	ssyncset.done $0x0  }
0x8e: {  	[sflag:s1] =	ssyncadd.s32 $0xFFFFC000  }
0x8f: {  	_ =	swait.ge [sflag:s7], $0x4000  }
0x90: {  	p1 =	seq.s32 s12, $0x6000;
	[sflag:s7] =	ssyncset.done $0x0  }
0x91: {  	s28 =	sadd.s32 $0x1000, s16;
	s18 =	sadd.s32 @!p1 s12, s9;
	[sflag:s7] =	ssyncadd.s32 $0xFFFFC000  }
0x92: {  	[hbm4b:s28+s4] =	stream.linear.scatter [tilespmem:s22], [sflag:$0x9], $0x4000, $0x38;
	[tilespmem:$0x1A340] =	vst v63  }
0x93: {  	s23 =	sadd.s32 s6, s15;
	s18 =	sadd.s32 @!p1 $0x400, s18  }
0x94: {  	[hbm4b:s23+s4] =	stream.linear.scatter [tilespmem:s24], [sflag:$0xA], $0x4000, $0x38;
	[tilespmem:$0x1A340] =	vst v63  }
0x95: {  	s18 =	sand.u32 @!p1 $0x7FFFFC00, s18;
	s23 =	sand.u32 @!p1 $0x300, s12  }
0x96: {  	s18 =	sor.u32 @!p1 s23, s18  }
0x97: {  	s18 =	sshrl.u32 @!p1 s18, $0x3  }
0x98: {  	s28 =	simm.s32 @!p1 $0x2040;
	s23 =	simm.s32 @!p1 $0x0;
	s18 =	sadd.s32 @!p1 s5, s18  }
0x99: {  	[tilespmem:s28], [sflag:$0xE] =	stream.linear.gather @!p1 [hbm4b:s18+s23], $0x100, $0x38;
	[tilespmem:$0x1A340] =	vst v63  }
0x9a: {  	_ =	swait.ge [sflag:s8], $0x4000  }
0x9b: {  	[sflag:s8] =	ssyncset.done $0x0  }
0x9c: {  	[sflag:s8] =	ssyncadd.s32 $0xFFFFC000  }
0x9d: {  	_ =	swait.ge [sflag:s10], $0x4000  }
.Ltmp2:
0x9e: {  	[sflag:s10] =	ssyncset.done $0x0;
	(pc) =	sbr.rel @p1 .LBB2_4-.Ltmp2, $4  }
0x9f: {  	s16 =	sadd.s32 $0x2000, s16;
	[sflag:s10] =	ssyncadd.s32 $0xFFFFC000  }
0xa0: {  	[hbm4b:s16+s4] =	stream.linear.scatter [tilespmem:s26], [sflag:$0xB], $0x4000, $0x38;
	[tilespmem:$0x1A340] =	vst v63  }
0xa1: {  	s28 =	sadd.s32 s6, s13  }
0xa2: {  	[hbm4b:s28+s4] =	stream.linear.scatter [tilespmem:s29], [sflag:$0xC], $0x4000, $0x38;
	[tilespmem:$0x1A340] =	vst v63  }
0xa3: {  	s12 =	sadd.s32 $0x500, s12  }
0xa4: {  	s16 =	sadd.s32 s9, s12  }
0xa5: {  	s12 =	sand.u32 $0x300, s12;
	s16 =	sand.u32 $0x1FFC00, s16  }
.Ltmp3:
0xa6: {  	s12 =	sor.u32 s12, s16;
	(pc) =	sbr.rel .LBB2_2-.Ltmp3, $4  }
0xa7: {  	s12 =	sshrl.u32 s12, $0x3  }
0xa8: {  	s12 =	sadd.s32 s5, s12  }
0xa9: {  	[tilespmem:s19], [sflag:$0xF] =	stream.linear.gather [hbm4b:s12+s4], $0x100, $0x38;
	[tilespmem:$0x1A340] =	vst v63  }
0xaa: {  	s6 =	sadd.s32 $0x3000, s6;
	s12 =	smov.u32 s11  }
.LBB2_5:
0xab: {  	_ =	sfence.sel $0x180000  }
0xac: {  	[bflag:$0x0] =	sbarrier.arrive $0xFFFF  }
0xad: {  	_ =	strace $0x90000047  }
0xae: {  	[bflag:$0x2] =	sbarrier.arrive $0xFFFF  }
0xaf: {  	s0 =	rddreg [dreg:$0x4]  }
0xb0: {  	s0 =	sadd.s32 @!p0 $0x100000, s0  }
0xb1: {  	[sflag:s0] =	ssyncadd.tile.s32 @!p0 $0x1;
	_ =	shalt  }
.Lfunc_end2:
_tile_overlayer_lowered:
.L_overlay_start_2:
0xb2: {  	(tag) =	ssettag $0x2  }
0xb3: {  	s0 =	rddreg [dreg:$0x0];
	s2 =	stileid.u32  }
0xb4: {  	s1 =	rddreg [dreg:$0x1];
	p0 =	sne.s32 s2, $0x0  }
0xb5: {  	s3 =	rddreg [dreg:$0x2];
	[bflag:$0x3] =	sbarrier.arrive $0xFFFF;
	s2 =	simm.s32 @!p0 $0x1C10  }
0xb6: {  	[timem:s3], [sflag:s2] =	dma.local @!p0 [hbm:s0], s1  }
0xb7: {  	s0 =	simm.s32 @!p0 $0x10  }
0xb8: {  	_ =	swait.ge @!p0 [sflag:s0], s1  }
0xb9: {  	s1 =	ssub.s32 @!p0 $0x0, s1;
	[sflag:s0] =	ssyncset.done @!p0 $0x0  }
0xba: {  	[sflag:s0] =	ssyncadd.s32 @!p0 s1  }
0xbb: {  	[bflag:$0x3] =	sbarrier.arrive $0xFFFF  }
0xbc: {  	_ =	shalt  }

</sc_bundles>
